<compile_context>
chip_gen: v7x
topology: tpu7x:2x2x1
jax: 0.10.2.dev20260603
libtpu: 0.0.44.dev20260713+nightly
codegen_flags: <defaults>
</compile_context>

<pallas_src>
import jax
import jax.numpy as jnp
from jax.experimental import pallas as pl

_CONF = 0.25
_IOU = 0.45
_MAXDET = 300
_MAXWH = 4096.0
_K = 2048
_NEG = -1e9
_BS = 512
_NBLK = _K // _BS


def _score_body(p_ref, o_ref):
    xc = p_ref[0, 0:1, :]
    yc = p_ref[0, 1:2, :]
    w = p_ref[0, 2:3, :]
    h = p_ref[0, 3:4, :]
    obj = p_ref[0, 4:5, :]
    cls = p_ref[0, 5:85, :]
    scaled = cls * obj
    conf = jnp.max(scaled, axis=0, keepdims=True)
    iota = jax.lax.broadcasted_iota(jnp.int32, scaled.shape, 0)
    j = jnp.min(jnp.where(scaled == conf, iota, 1000), axis=0, keepdims=True)
    b0 = xc - w / 2
    b1 = yc - h / 2
    b2 = xc + w / 2
    b3 = yc + h / 2
    cand = (obj > _CONF) & (conf > _CONF)
    score = jnp.where(cand, conf, _NEG)
    zero = jnp.zeros_like(score)
    out = jnp.concatenate(
        [b0, b1, b2, b3, score, j.astype(jnp.float32), zero, zero], axis=0)
    o_ref[...] = out[None]


def _nms_body(sel_ref, selT_ref, ks_ref):
    s = sel_ref[0]
    sT = selT_ref[0]
    cls_r = s[:, 5:6]
    br = s[:, 0:4] + cls_r * _MAXWH
    cls_c = sT[5:6, :] * _MAXWH
    x0c = sT[0:1, :] + cls_c
    y0c = sT[1:2, :] + cls_c
    x1c = sT[2:3, :] + cls_c
    y1c = sT[3:4, :] + cls_c
    score_c = sT[4:5, :]
    area_c = (x1c - x0c) * (y1c - y0c)
    valid_c = score_c > (_NEG / 2)
    col = jax.lax.broadcasted_iota(jnp.int32, (1, _K), 1)

    sup = jnp.zeros((1, _K), dtype=jnp.bool_)
    keep_parts = []
    for b in range(_NBLK):
        r0 = b * _BS
        x0r = br[r0:r0 + _BS, 0:1]
        y0r = br[r0:r0 + _BS, 1:2]
        x1r = br[r0:r0 + _BS, 2:3]
        y1r = br[r0:r0 + _BS, 3:4]
        area_r = (x1r - x0r) * (y1r - y0r)
        ltx = jnp.maximum(x0r, x0c)
        lty = jnp.maximum(y0r, y0c)
        rbx = jnp.minimum(x1r, x1c)
        rby = jnp.minimum(y1r, y1c)
        iw = jnp.clip(rbx - ltx, 0.0, None)
        ih = jnp.clip(rby - lty, 0.0, None)
        inter = iw * ih
        iou = inter / (area_r + area_c - inter + 1e-9)
        row = jax.lax.broadcasted_iota(jnp.int32, (_BS, 1), 0) + r0
        m = jnp.where((iou > _IOU) & (col > row), 1.0, 0.0)
        mbb = m[:, r0:r0 + _BS]
        validb = valid_c[:, r0:r0 + _BS] & jnp.logical_not(sup[:, r0:r0 + _BS])
        vbf = jnp.where(validb, 1.0, 0.0)

        def _cond(c):
            return c[1]

        def _body(c):
            k, _ = c
            prod = jax.lax.dot_general(
                k, mbb, (((1,), (0,)), ((), ())),
                preferred_element_type=jnp.float32)
            knew = jnp.where(prod == 0.0, vbf, 0.0)
            return (knew, jnp.any(knew != k))

        kb, _ = jax.lax.while_loop(_cond, _body, (vbf, jnp.bool_(True)))
        prod_all = jax.lax.dot_general(
            kb, m, (((1,), (0,)), ((), ())),
            preferred_element_type=jnp.float32)
        sup = sup | (prod_all > 0.0)
        keep_parts.append(kb > 0.0)

    keep = jnp.concatenate(keep_parts, axis=1)
    ks = jnp.where(keep, score_c, _NEG)
    ks_ref[...] = ks[None]


def kernel(prediction):
    B, N, C = prediction.shape
    pt = jnp.transpose(prediction, (0, 2, 1))
    featT = pl.pallas_call(
        _score_body,
        grid=(B,),
        in_specs=[pl.BlockSpec((1, C, N), lambda i: (i, 0, 0))],
        out_specs=pl.BlockSpec((1, 8, N), lambda i: (i, 0, 0)),
        out_shape=jax.ShapeDtypeStruct((B, 8, N), jnp.float32),
    )(pt)

    scores = featT[:, 4, :]
    _, idx = jax.lax.top_k(scores, _K)
    selT = jnp.take_along_axis(featT, idx[:, None, :], axis=2)
    sel = jnp.transpose(selT, (0, 2, 1))

    ks = pl.pallas_call(
        _nms_body,
        grid=(B,),
        in_specs=[
            pl.BlockSpec((1, _K, 8), lambda i: (i, 0, 0)),
            pl.BlockSpec((1, 8, _K), lambda i: (i, 0, 0)),
        ],
        out_specs=pl.BlockSpec((1, 1, _K), lambda i: (i, 0, 0)),
        out_shape=jax.ShapeDtypeStruct((B, 1, _K), jnp.float32),
    )(sel, selT)[:, 0, :]

    det_scores, det_idx = jax.lax.top_k(ks, _MAXDET)
    det = jnp.take_along_axis(sel, det_idx[:, :, None], axis=1)
    mask = det_scores > (_NEG / 2)
    out = jnp.concatenate(
        [det[..., 0:4], det_scores[..., None], det[..., 5:6]], axis=2)
    out = jnp.where(mask[..., None], out, 0.0)
    counts = mask.sum(axis=1)
    return out, counts

# --- scband reference (transcript-rebuilt; emitter-appended) ---
"""Pipeline reference for scband-yolowrapper-88708254531775 (READ-ONLY COPY).

The authoritative reference and input builder live on the scoring server;
editing this copy changes nothing except your own understanding.
"""

import jax, jax.numpy as jnp
import numpy as np

CONF_THRES = 0.25
IOU_THRES = 0.45
MAX_DET = 300
MAX_WH = 4096.0
K = 2048
NEG = -1e9


def xywh2xyxy(x):
    return jnp.stack([
        x[..., 0] - x[..., 2] / 2,
        x[..., 1] - x[..., 3] / 2,
        x[..., 0] + x[..., 2] / 2,
        x[..., 1] + x[..., 3] / 2,
    ], axis=-1)


def nms_keep(boxes, scores):
    # boxes [K,4] sorted by descending score, scores [K]
    boxes = jax.lax.stop_gradient(boxes)
    scores = jax.lax.stop_gradient(scores)
    area = (boxes[:, 2] - boxes[:, 0]) * (boxes[:, 3] - boxes[:, 1])
    lt = jnp.maximum(boxes[:, None, :2], boxes[None, :, :2])
    rb = jnp.minimum(boxes[:, None, 2:], boxes[None, :, 2:])
    wh = jnp.clip(rb - lt, 0.0, None)
    inter = wh[..., 0] * wh[..., 1]
    iou = inter / (area[:, None] + area[None, :] - inter + 1e-9)
    valid = scores > NEG / 2
    idxs = jnp.arange(boxes.shape[0])

    def body(keep, i):
        sup = (iou[i] > IOU_THRES) & keep[i] & (idxs > i)
        return keep & (~sup), None

    keep, _ = jax.lax.scan(body, valid, idxs)
    return keep


def _forward(prediction):
    obj = prediction[..., 4]
    cls = prediction[..., 5:] * obj[..., None]  # conf = obj_conf * cls_conf
    conf = cls.max(axis=-1)
    j = jnp.argmax(cls, axis=-1)
    boxes = xywh2xyxy(prediction[..., :4])
    cand = (obj > CONF_THRES) & (conf > CONF_THRES)
    scores = jnp.where(cand, conf, NEG)

    def per_image(boxes_i, scores_i, j_i):
        top_scores, idx = jax.lax.top_k(scores_i, K)  # max_nms prefilter (fixed-shape)
        b_sel = boxes_i[idx]
        cls_sel = j_i[idx]
        # class offset trick (agnostic=False), same as torch impl: boxes + c*max_wh
        b_off = b_sel + (cls_sel.astype(jnp.float32) * MAX_WH)[:, None]
        keep = nms_keep(b_off, top_scores)
        keep_scores = jnp.where(keep, top_scores, NEG)
        det_scores, det_idx = jax.lax.top_k(keep_scores, MAX_DET)
        det_boxes = b_sel[det_idx]
        det_cls = cls_sel[det_idx].astype(jnp.float32)
        mask = det_scores > NEG / 2
        out = jnp.concatenate([det_boxes, det_scores[:, None], det_cls[:, None]], axis=1)
        out = jnp.where(mask[:, None], out, 0.0)
        return out, mask.sum()

    outs, counts = jax.vmap(per_image)(boxes, scores, j)
    return outs, counts


def setup_inputs(seed: int = 0) -> dict:
    key = jax.random.key(seed)
    prediction = jax.random.uniform(key, (8, 20000, 85), dtype=jnp.float32)
    return {"prediction": prediction}


def reference(prediction):
    # Returns (detections [B, 300, 6] = xyxy, conf, cls padded with zeros, num_valid [B])
    return _forward(prediction)

if __name__ == "__main__":
    import jax
    _d = setup_inputs()
    print(jax.jit(kernel)(*tuple(_d.values())))

</pallas_src>

<mosaic_0001>
module attributes {stable_mosaic.version = 14 : i64} {
  func.func @_score_body(%arg0: i32, %arg1: memref<1x85x20000xf32, #tpu.memory_space<vmem>>, %arg2: memref<1x8x20000xf32, #tpu.memory_space<vmem>>) attributes {dimension_semantics = [#tpu.dimension_semantics<arbitrary>], iteration_bounds = array<i64: 8>, scalar_prefetch = 0 : i64, scratch_operands = 0 : i64, tpu.core_type = #tpu.core_type<tc>, window_params = [{transform_indices = @transform_0, window_bounds = array<i64: 1, 85, 20000>}, {transform_indices = @transform_1, window_bounds = array<i64: 1, 8, 20000>}]} {
    %get3A = arith.constant 0 : index
    %get3A_0 = arith.constant 0 : index
    %get3A_1 = arith.constant 0 : index
    %get3A_2 = vector.load %arg1[%get3A, %get3A_0, %get3A_1] : memref<1x85x20000xf32, #tpu.memory_space<vmem>>, vector<1x1x20000xf32>
    %get3A_3 = vector.shape_cast %get3A_2 : vector<1x1x20000xf32> to vector<1x20000xf32>
    %get3A_4 = arith.constant 0 : index
    %get3A_5 = arith.constant 1 : index
    %get3A_6 = arith.constant 0 : index
    %get3A_7 = vector.load %arg1[%get3A_4, %get3A_5, %get3A_6] : memref<1x85x20000xf32, #tpu.memory_space<vmem>>, vector<1x1x20000xf32>
    %get3A_8 = vector.shape_cast %get3A_7 : vector<1x1x20000xf32> to vector<1x20000xf32>
    %get3A_9 = arith.constant 0 : index
    %get3A_10 = arith.constant 2 : index
    %get3A_11 = arith.constant 0 : index
    %get3A_12 = vector.load %arg1[%get3A_9, %get3A_10, %get3A_11] : memref<1x85x20000xf32, #tpu.memory_space<vmem>>, vector<1x1x20000xf32>
    %get3A_13 = vector.shape_cast %get3A_12 : vector<1x1x20000xf32> to vector<1x20000xf32>
    %get3A_14 = arith.constant 0 : index
    %get3A_15 = arith.constant 3 : index
    %get3A_16 = arith.constant 0 : index
    %get3A_17 = vector.load %arg1[%get3A_14, %get3A_15, %get3A_16] : memref<1x85x20000xf32, #tpu.memory_space<vmem>>, vector<1x1x20000xf32>
    %get3A_18 = vector.shape_cast %get3A_17 : vector<1x1x20000xf32> to vector<1x20000xf32>
    %get3A_19 = arith.constant 0 : index
    %get3A_20 = arith.constant 4 : index
    %get3A_21 = arith.constant 0 : index
    %get3A_22 = vector.load %arg1[%get3A_19, %get3A_20, %get3A_21] : memref<1x85x20000xf32, #tpu.memory_space<vmem>>, vector<1x1x20000xf32>
    %get3A_23 = vector.shape_cast %get3A_22 : vector<1x1x20000xf32> to vector<1x20000xf32>
    %get3A_24 = arith.constant 0 : index
    %get3A_25 = arith.constant 5 : index
    %get3A_26 = arith.constant 0 : index
    %get3A_27 = vector.load %arg1[%get3A_24, %get3A_25, %get3A_26] : memref<1x85x20000xf32, #tpu.memory_space<vmem>>, vector<1x80x20000xf32>
    %get3A_28 = vector.shape_cast %get3A_27 : vector<1x80x20000xf32> to vector<80x20000xf32>
    %mul3A = vector.broadcast %get3A_23 : vector<1x20000xf32> to vector<80x20000xf32>
    %mul3A_29 = arith.mulf %get3A_28, %mul3A : vector<80x20000xf32>
    %reduce_max3A = arith.constant dense<0xFF800000> : vector<20000xf32>
    %reduce_max3A_30 = vector.multi_reduction <maximumf>, %mul3A_29, %reduce_max3A [0] : vector<80x20000xf32> to vector<20000xf32>
    %broadcast_in_dim3A = vector.shape_cast %reduce_max3A_30 : vector<20000xf32> to vector<1x20000xf32>
    %iota3A = tpu.iota {dimensions = array<i32: 0>} : vector<80x20000xi32>
    %eq3A = vector.broadcast %broadcast_in_dim3A : vector<1x20000xf32> to vector<80x20000xf32>
    %eq3A_31 = arith.cmpf oeq, %mul3A_29, %eq3A : vector<80x20000xf32>
    %jit3A = arith.constant 1000 : i32
    %broadcast_in_dim3A_32 = vector.broadcast %jit3A : i32 to vector<80x20000xi32>
    %select_n3A = arith.select %eq3A_31, %iota3A, %broadcast_in_dim3A_32 : vector<80x20000xi1>, vector<80x20000xi32>
    %reduce_min3A = arith.constant dense<2147483647> : vector<20000xi32>
    %reduce_min3A_33 = vector.multi_reduction <minsi>, %select_n3A, %reduce_min3A [0] : vector<80x20000xi32> to vector<20000xi32>
    %broadcast_in_dim3A_34 = vector.shape_cast %reduce_min3A_33 : vector<20000xi32> to vector<1x20000xi32>
    %div3A = arith.constant 2.000000e+00 : f32
    %div3A_35 = vector.broadcast %div3A : f32 to vector<1x20000xf32>
    %div3A_36 = arith.divf %get3A_13, %div3A_35 : vector<1x20000xf32>
    %sub3A = arith.subf %get3A_3, %div3A_36 : vector<1x20000xf32>
    %div3A_37 = arith.constant 2.000000e+00 : f32
    %div3A_38 = vector.broadcast %div3A_37 : f32 to vector<1x20000xf32>
    %div3A_39 = arith.divf %get3A_18, %div3A_38 : vector<1x20000xf32>
    %sub3A_40 = arith.subf %get3A_8, %div3A_39 : vector<1x20000xf32>
    %div3A_41 = arith.constant 2.000000e+00 : f32
    %div3A_42 = vector.broadcast %div3A_41 : f32 to vector<1x20000xf32>
    %div3A_43 = arith.divf %get3A_13, %div3A_42 : vector<1x20000xf32>
    %add3A = arith.addf %get3A_3, %div3A_43 : vector<1x20000xf32>
    %div3A_44 = arith.constant 2.000000e+00 : f32
    %div3A_45 = vector.broadcast %div3A_44 : f32 to vector<1x20000xf32>
    %div3A_46 = arith.divf %get3A_18, %div3A_45 : vector<1x20000xf32>
    %add3A_47 = arith.addf %get3A_8, %div3A_46 : vector<1x20000xf32>
    %gt3A = arith.constant 2.500000e-01 : f32
    %gt3A_48 = vector.broadcast %gt3A : f32 to vector<1x20000xf32>
    %gt3A_49 = arith.cmpf ogt, %get3A_23, %gt3A_48 : vector<1x20000xf32>
    %gt3A_50 = arith.constant 2.500000e-01 : f32
    %gt3A_51 = vector.broadcast %gt3A_50 : f32 to vector<1x20000xf32>
    %gt3A_52 = arith.cmpf ogt, %broadcast_in_dim3A, %gt3A_51 : vector<1x20000xf32>
    %and3A = arith.andi %gt3A_49, %gt3A_52 : vector<1x20000xi1>
    %jit3A_53 = arith.constant -1.000000e+09 : f32
    %broadcast_in_dim3A_54 = vector.broadcast %jit3A_53 : f32 to vector<1x20000xf32>
    %select_n3A_55 = arith.select %and3A, %broadcast_in_dim3A, %broadcast_in_dim3A_54 : vector<1x20000xi1>, vector<1x20000xf32>
    %broadcast_in_dim3A_56 = arith.constant 0.000000e+00 : f32
    %broadcast_in_dim3A_57 = vector.broadcast %broadcast_in_dim3A_56 : f32 to vector<1x20000xf32>
    %convert_element_type3A = arith.sitofp %broadcast_in_dim3A_34 : vector<1x20000xi32> to vector<1x20000xf32>
    %concatenate3A = tpu.concatenate %sub3A, %sub3A_40, %add3A, %add3A_47, %select_n3A_55, %convert_element_type3A, %broadcast_in_dim3A_57, %broadcast_in_dim3A_57 in 0 : vector<1x20000xf32>, vector<1x20000xf32>, vector<1x20000xf32>, vector<1x20000xf32>, vector<1x20000xf32>, vector<1x20000xf32>, vector<1x20000xf32>, vector<1x20000xf32> -> vector<8x20000xf32>
    %broadcast_in_dim3A_58 = vector.shape_cast %concatenate3A : vector<8x20000xf32> to vector<1x8x20000xf32>
    %swap3A = arith.constant 0 : index
    %swap3A_59 = arith.constant 0 : index
    %swap3A_60 = arith.constant 0 : index
    %swap3A_61 = vector.load %arg2[%swap3A, %swap3A_59, %swap3A_60] : memref<1x8x20000xf32, #tpu.memory_space<vmem>>, vector<1x8x20000xf32>
    tpu.vector_store %arg2[%swap3A, %swap3A_59, %swap3A_60], %broadcast_in_dim3A_58 {strides = array<i32>} : memref<1x8x20000xf32, #tpu.memory_space<vmem>>, vector<1x8x20000xf32>,
    return
  }
  func.func @transform_0(%arg0: i32) -> (i32, i32, i32) {
    %c0_i32 = arith.constant 0 : i32
    %c0_i32_0 = arith.constant 0 : i32
    %c0_i32_1 = arith.constant 0 : i32
    return %arg0, %c0_i32, %c0_i32_0 : i32, i32, i32
  }
  func.func @transform_1(%arg0: i32) -> (i32, i32, i32) {
    %c0_i32 = arith.constant 0 : i32
    %c0_i32_0 = arith.constant 0 : i32
    %c0_i32_1 = arith.constant 0 : i32
    return %arg0, %c0_i32, %c0_i32_0 : i32, i32, i32
  }
}

module attributes {stable_mosaic.version = 14 : i64} {
  func.func @_nms_body(%arg0: i32, %arg1: memref<1x2048x8xf32, #tpu.memory_space<vmem>>, %arg2: memref<1x8x2048xf32, #tpu.memory_space<vmem>>, %arg3: memref<1x1x2048xf32, #tpu.memory_space<vmem>>) attributes {dimension_semantics = [#tpu.dimension_semantics<arbitrary>], iteration_bounds = array<i64: 8>, scalar_prefetch = 0 : i64, scratch_operands = 0 : i64, tpu.core_type = #tpu.core_type<tc>, window_params = [{transform_indices = @transform_0, window_bounds = array<i64: 1, 2048, 8>}, {transform_indices = @transform_1, window_bounds = array<i64: 1, 8, 2048>}, {transform_indices = @transform_2, window_bounds = array<i64: 1, 1, 2048>}]} {
    %get3A = arith.constant 0 : index
    %get3A_0 = arith.constant 0 : index
    %get3A_1 = arith.constant 0 : index
    %get3A_2 = vector.load %arg1[%get3A, %get3A_0, %get3A_1] : memref<1x2048x8xf32, #tpu.memory_space<vmem>>, vector<1x2048x8xf32>
    %get3A_3 = vector.shape_cast %get3A_2 : vector<1x2048x8xf32> to vector<2048x8xf32>
    %get3A_4 = arith.constant 0 : index
    %get3A_5 = arith.constant 0 : index
    %get3A_6 = arith.constant 0 : index
    %get3A_7 = vector.load %arg2[%get3A_4, %get3A_5, %get3A_6] : memref<1x8x2048xf32, #tpu.memory_space<vmem>>, vector<1x8x2048xf32>
    %get3A_8 = vector.shape_cast %get3A_7 : vector<1x8x2048xf32> to vector<8x2048xf32>
    %slice3A = vector.extract_strided_slice %get3A_3 {offsets = [0, 5], sizes = [2048, 1], strides = [1, 1]} : vector<2048x8xf32> to vector<2048x1xf32>
    %slice3A_9 = vector.extract_strided_slice %get3A_3 {offsets = [0, 0], sizes = [2048, 4], strides = [1, 1]} : vector<2048x8xf32> to vector<2048x4xf32>
    %mul3A = arith.constant 4.096000e+03 : f32
    %mul3A_10 = vector.broadcast %mul3A : f32 to vector<2048x1xf32>
    %mul3A_11 = arith.mulf %slice3A, %mul3A_10 : vector<2048x1xf32>
    %add3A = vector.broadcast %mul3A_11 : vector<2048x1xf32> to vector<2048x4xf32>
    %add3A_12 = arith.addf %slice3A_9, %add3A : vector<2048x4xf32>
    %slice3A_13 = vector.extract_strided_slice %get3A_8 {offsets = [5, 0], sizes = [1, 2048], strides = [1, 1]} : vector<8x2048xf32> to vector<1x2048xf32>
    %mul3A_14 = arith.constant 4.096000e+03 : f32
    %mul3A_15 = vector.broadcast %mul3A_14 : f32 to vector<1x2048xf32>
    %mul3A_16 = arith.mulf %slice3A_13, %mul3A_15 : vector<1x2048xf32>
    %slice3A_17 = vector.extract_strided_slice %get3A_8 {offsets = [0, 0], sizes = [1, 2048], strides = [1, 1]} : vector<8x2048xf32> to vector<1x2048xf32>
    %add3A_18 = arith.addf %slice3A_17, %mul3A_16 : vector<1x2048xf32>
    %slice3A_19 = vector.extract_strided_slice %get3A_8 {offsets = [1, 0], sizes = [1, 2048], strides = [1, 1]} : vector<8x2048xf32> to vector<1x2048xf32>
    %add3A_20 = arith.addf %slice3A_19, %mul3A_16 : vector<1x2048xf32>
    %slice3A_21 = vector.extract_strided_slice %get3A_8 {offsets = [2, 0], sizes = [1, 2048], strides = [1, 1]} : vector<8x2048xf32> to vector<1x2048xf32>
    %add3A_22 = arith.addf %slice3A_21, %mul3A_16 : vector<1x2048xf32>
    %slice3A_23 = vector.extract_strided_slice %get3A_8 {offsets = [3, 0], sizes = [1, 2048], strides = [1, 1]} : vector<8x2048xf32> to vector<1x2048xf32>
    %add3A_24 = arith.addf %slice3A_23, %mul3A_16 : vector<1x2048xf32>
    %slice3A_25 = vector.extract_strided_slice %get3A_8 {offsets = [4, 0], sizes = [1, 2048], strides = [1, 1]} : vector<8x2048xf32> to vector<1x2048xf32>
    %sub3A = arith.subf %add3A_22, %add3A_18 : vector<1x2048xf32>
    %sub3A_26 = arith.subf %add3A_24, %add3A_20 : vector<1x2048xf32>
    %mul3A_27 = arith.mulf %sub3A, %sub3A_26 : vector<1x2048xf32>
    %gt3A = arith.constant -5.000000e+08 : f32
    %gt3A_28 = vector.broadcast %gt3A : f32 to vector<1x2048xf32>
    %gt3A_29 = arith.cmpf ogt, %slice3A_25, %gt3A_28 : vector<1x2048xf32>
    %iota3A = tpu.iota {dimensions = array<i32: 1>} : vector<1x2048xi32>
    %broadcast_in_dim3A = arith.constant false
    %broadcast_in_dim3A_30 = vector.broadcast %broadcast_in_dim3A : i1 to vector<1x2048xi1>
    %slice3A_31 = vector.extract_strided_slice %add3A_12 {offsets = [0, 0], sizes = [512, 1], strides = [1, 1]} : vector<2048x4xf32> to vector<512x1xf32>
    %slice3A_32 = vector.extract_strided_slice %add3A_12 {offsets = [0, 1], sizes = [512, 1], strides = [1, 1]} : vector<2048x4xf32> to vector<512x1xf32>
    %slice3A_33 = vector.extract_strided_slice %add3A_12 {offsets = [0, 2], sizes = [512, 1], strides = [1, 1]} : vector<2048x4xf32> to vector<512x1xf32>
    %slice3A_34 = vector.extract_strided_slice %add3A_12 {offsets = [0, 3], sizes = [512, 1], strides = [1, 1]} : vector<2048x4xf32> to vector<512x1xf32>
    %sub3A_35 = arith.subf %slice3A_33, %slice3A_31 : vector<512x1xf32>
    %sub3A_36 = arith.subf %slice3A_34, %slice3A_32 : vector<512x1xf32>
    %mul3A_37 = arith.mulf %sub3A_35, %sub3A_36 : vector<512x1xf32>
    %max3A = vector.broadcast %slice3A_31 : vector<512x1xf32> to vector<512x2048xf32>
    %max3A_38 = vector.broadcast %add3A_18 : vector<1x2048xf32> to vector<512x2048xf32>
    %max3A_39 = arith.maximumf %max3A, %max3A_38 : vector<512x2048xf32>
    %max3A_40 = vector.broadcast %slice3A_32 : vector<512x1xf32> to vector<512x2048xf32>
    %max3A_41 = vector.broadcast %add3A_20 : vector<1x2048xf32> to vector<512x2048xf32>
    %max3A_42 = arith.maximumf %max3A_40, %max3A_41 : vector<512x2048xf32>
    %min3A = vector.broadcast %slice3A_33 : vector<512x1xf32> to vector<512x2048xf32>
    %min3A_43 = vector.broadcast %add3A_22 : vector<1x2048xf32> to vector<512x2048xf32>
    %min3A_44 = arith.minimumf %min3A, %min3A_43 : vector<512x2048xf32>
    %min3A_45 = vector.broadcast %slice3A_34 : vector<512x1xf32> to vector<512x2048xf32>
    %min3A_46 = vector.broadcast %add3A_24 : vector<1x2048xf32> to vector<512x2048xf32>
    %min3A_47 = arith.minimumf %min3A_45, %min3A_46 : vector<512x2048xf32>
    %sub3A_48 = arith.subf %min3A_44, %max3A_39 : vector<512x2048xf32>
    %jit3A = arith.constant 0.000000e+00 : f32
    %max3A_49 = vector.broadcast %jit3A : f32 to vector<512x2048xf32>
    %max3A_50 = arith.maximumf %max3A_49, %sub3A_48 : vector<512x2048xf32>
    %sub3A_51 = arith.subf %min3A_47, %max3A_42 : vector<512x2048xf32>
    %jit3A_52 = arith.constant 0.000000e+00 : f32
    %max3A_53 = vector.broadcast %jit3A_52 : f32 to vector<512x2048xf32>
    %max3A_54 = arith.maximumf %max3A_53, %sub3A_51 : vector<512x2048xf32>
    %mul3A_55 = arith.mulf %max3A_50, %max3A_54 : vector<512x2048xf32>
    %add3A_56 = vector.broadcast %mul3A_37 : vector<512x1xf32> to vector<512x2048xf32>
    %add3A_57 = vector.broadcast %mul3A_27 : vector<1x2048xf32> to vector<512x2048xf32>
    %add3A_58 = arith.addf %add3A_56, %add3A_57 : vector<512x2048xf32>
    %sub3A_59 = arith.subf %add3A_58, %mul3A_55 : vector<512x2048xf32>
    %add3A_60 = arith.constant 9.99999971E-10 : f32
    %add3A_61 = vector.broadcast %add3A_60 : f32 to vector<512x2048xf32>
    %add3A_62 = arith.addf %sub3A_59, %add3A_61 : vector<512x2048xf32>
    %div3A = arith.divf %mul3A_55, %add3A_62 : vector<512x2048xf32>
    %iota3A_63 = tpu.iota {dimensions = array<i32: 0>} : vector<512x1xi32>
    %add3A_64 = arith.constant 0 : i32
    %add3A_65 = vector.broadcast %add3A_64 : i32 to vector<512x1xi32>
    %add3A_66 = arith.addi %iota3A_63, %add3A_65 : vector<512x1xi32>
    %gt3A_67 = arith.constant 4.500000e-01 : f32
    %gt3A_68 = vector.broadcast %gt3A_67 : f32 to vector<512x2048xf32>
    %gt3A_69 = arith.cmpf ogt, %div3A, %gt3A_68 : vector<512x2048xf32>
    %gt3A_70 = vector.broadcast %iota3A : vector<1x2048xi32> to vector<512x2048xi32>
    %gt3A_71 = vector.broadcast %add3A_66 : vector<512x1xi32> to vector<512x2048xi32>
    %gt3A_72 = arith.cmpi sgt, %gt3A_70, %gt3A_71 : vector<512x2048xi32>
    %and3A = arith.andi %gt3A_69, %gt3A_72 : vector<512x2048xi1>
    %jit3A_73 = arith.constant 1.000000e+00 : f32
    %jit3A_74 = arith.constant 0.000000e+00 : f32
    %broadcast_in_dim3A_75 = vector.broadcast %jit3A_73 : f32 to vector<512x2048xf32>
    %broadcast_in_dim3A_76 = vector.broadcast %jit3A_74 : f32 to vector<512x2048xf32>
    %select_n3A = arith.select %and3A, %broadcast_in_dim3A_75, %broadcast_in_dim3A_76 : vector<512x2048xi1>, vector<512x2048xf32>
    %slice3A_77 = vector.extract_strided_slice %select_n3A {offsets = [0, 0], sizes = [512, 512], strides = [1, 1]} : vector<512x2048xf32> to vector<512x512xf32>
    %slice3A_78 = vector.extract_strided_slice %gt3A_29 {offsets = [0, 0], sizes = [1, 512], strides = [1, 1]} : vector<1x2048xi1> to vector<1x512xi1>
    %slice3A_79 = vector.extract_strided_slice %broadcast_in_dim3A_30 {offsets = [0, 0], sizes = [1, 512], strides = [1, 1]} : vector<1x2048xi1> to vector<1x512xi1>
    %not3A = arith.constant dense<true> : vector<1x512xi1>
    %not3A_80 = arith.xori %slice3A_79, %not3A : vector<1x512xi1>
    %and3A_81 = arith.andi %slice3A_78, %not3A_80 : vector<1x512xi1>
    %jit3A_82 = arith.constant 1.000000e+00 : f32
    %jit3A_83 = arith.constant 0.000000e+00 : f32
    %broadcast_in_dim3A_84 = vector.broadcast %jit3A_82 : f32 to vector<1x512xf32>
    %broadcast_in_dim3A_85 = vector.broadcast %jit3A_83 : f32 to vector<1x512xf32>
    %select_n3A_86 = arith.select %and3A_81, %broadcast_in_dim3A_84, %broadcast_in_dim3A_85 : vector<1x512xi1>, vector<1x512xf32>
    %while3A = arith.constant true
    %while3A_87:2 = scf.while (%while3A_318 = %select_n3A_86, %while3A_319 = %while3A) : (vector<1x512xf32>, i1) -> (vector<1x512xf32>, i1) {
      scf.condition(%while3A_319) %while3A_318, %while3A_319 : vector<1x512xf32>, i1
    } do {
    ^bb0(%while3A_318: vector<1x512xf32>, %while3A_319: i1):
      %dot_general3A_320 = arith.constant dense<0.000000e+00> : vector<1x512xf32>
      %dot_general3A_321 = tpu.matmul %while3A_318, %slice3A_77, %dot_general3A_320 {dimension_numbers = #tpu.dot_dimension_numbers<[1], [0], [0], [1], [0, 0, 1, 1], [], []>, transpose_lhs_hint = false} : vector<1x512xf32>, vector<512x512xf32>, vector<1x512xf32> -> vector<1x512xf32>
      %eq3A = arith.constant 0.000000e+00 : f32
      %eq3A_322 = vector.broadcast %eq3A : f32 to vector<1x512xf32>
      %eq3A_323 = arith.cmpf oeq, %dot_general3A_321, %eq3A_322 : vector<1x512xf32>
      %jit3A_324 = arith.constant 0.000000e+00 : f32
      %broadcast_in_dim3A_325 = vector.broadcast %jit3A_324 : f32 to vector<1x512xf32>
      %select_n3A_326 = arith.select %eq3A_323, %select_n3A_86, %broadcast_in_dim3A_325 : vector<1x512xi1>, vector<1x512xf32>
      %ne3A = arith.cmpf one, %select_n3A_326, %while3A_318 : vector<1x512xf32>
      %reduce_or3A = arith.constant 1.000000e+00 : f32
      %reduce_or3A_327 = arith.constant 0.000000e+00 : f32
      %reduce_or3A_328 = vector.broadcast %reduce_or3A : f32 to vector<1x512xf32>
      %reduce_or3A_329 = vector.broadcast %reduce_or3A_327 : f32 to vector<1x512xf32>
      %reduce_or3A_330 = arith.select %ne3A, %reduce_or3A_328, %reduce_or3A_329 : vector<1x512xi1>, vector<1x512xf32>
      %reduce_or3A_331 = vector.shape_cast %reduce_or3A_330 : vector<1x512xf32> to vector<1x1x512xf32>
      %reduce_or3A_332 = arith.constant dense<0xFF800000> : vector<1xf32>
      %reduce_or3A_333 = vector.multi_reduction <maximumf>, %reduce_or3A_331, %reduce_or3A_332 [1, 2] : vector<1x1x512xf32> to vector<1xf32>
      %reduce_or3A_334 = vector.shape_cast %reduce_or3A_333 : vector<1xf32> to vector<1x1x1xf32>
      %reduce_or3A_335 = vector.extract %reduce_or3A_334[0, 0, 0] : f32 from vector<1x1x1xf32>
      %reduce_or3A_336 = arith.constant 0.000000e+00 : f32
      %reduce_or3A_337 = arith.cmpf ogt, %reduce_or3A_335, %reduce_or3A_336 : f32
      scf.yield %select_n3A_326, %reduce_or3A_337 : vector<1x512xf32>, i1
    }
    %dot_general3A = arith.constant dense<0.000000e+00> : vector<1x2048xf32>
    %dot_general3A_88 = tpu.matmul %while3A_87#0, %select_n3A, %dot_general3A {dimension_numbers = #tpu.dot_dimension_numbers<[1], [0], [0], [1], [0, 0, 1, 1], [], []>, transpose_lhs_hint = false} : vector<1x512xf32>, vector<512x2048xf32>, vector<1x2048xf32> -> vector<1x2048xf32>
    %gt3A_89 = arith.constant 0.000000e+00 : f32
    %gt3A_90 = vector.broadcast %gt3A_89 : f32 to vector<1x2048xf32>
    %gt3A_91 = arith.cmpf ogt, %dot_general3A_88, %gt3A_90 : vector<1x2048xf32>
    %or3A = arith.ori %broadcast_in_dim3A_30, %gt3A_91 : vector<1x2048xi1>
    %gt3A_92 = arith.constant 0.000000e+00 : f32
    %gt3A_93 = vector.broadcast %gt3A_92 : f32 to vector<1x512xf32>
    %gt3A_94 = arith.cmpf ogt, %while3A_87#0, %gt3A_93 : vector<1x512xf32>
    %slice3A_95 = vector.extract_strided_slice %add3A_12 {offsets = [512, 0], sizes = [512, 1], strides = [1, 1]} : vector<2048x4xf32> to vector<512x1xf32>
    %slice3A_96 = vector.extract_strided_slice %add3A_12 {offsets = [512, 1], sizes = [512, 1], strides = [1, 1]} : vector<2048x4xf32> to vector<512x1xf32>
    %slice3A_97 = vector.extract_strided_slice %add3A_12 {offsets = [512, 2], sizes = [512, 1], strides = [1, 1]} : vector<2048x4xf32> to vector<512x1xf32>
    %slice3A_98 = vector.extract_strided_slice %add3A_12 {offsets = [512, 3], sizes = [512, 1], strides = [1, 1]} : vector<2048x4xf32> to vector<512x1xf32>
    %sub3A_99 = arith.subf %slice3A_97, %slice3A_95 : vector<512x1xf32>
    %sub3A_100 = arith.subf %slice3A_98, %slice3A_96 : vector<512x1xf32>
    %mul3A_101 = arith.mulf %sub3A_99, %sub3A_100 : vector<512x1xf32>
    %max3A_102 = vector.broadcast %slice3A_95 : vector<512x1xf32> to vector<512x2048xf32>
    %max3A_103 = vector.broadcast %add3A_18 : vector<1x2048xf32> to vector<512x2048xf32>
    %max3A_104 = arith.maximumf %max3A_102, %max3A_103 : vector<512x2048xf32>
    %max3A_105 = vector.broadcast %slice3A_96 : vector<512x1xf32> to vector<512x2048xf32>
    %max3A_106 = vector.broadcast %add3A_20 : vector<1x2048xf32> to vector<512x2048xf32>
    %max3A_107 = arith.maximumf %max3A_105, %max3A_106 : vector<512x2048xf32>
    %min3A_108 = vector.broadcast %slice3A_97 : vector<512x1xf32> to vector<512x2048xf32>
    %min3A_109 = vector.broadcast %add3A_22 : vector<1x2048xf32> to vector<512x2048xf32>
    %min3A_110 = arith.minimumf %min3A_108, %min3A_109 : vector<512x2048xf32>
    %min3A_111 = vector.broadcast %slice3A_98 : vector<512x1xf32> to vector<512x2048xf32>
    %min3A_112 = vector.broadcast %add3A_24 : vector<1x2048xf32> to vector<512x2048xf32>
    %min3A_113 = arith.minimumf %min3A_111, %min3A_112 : vector<512x2048xf32>
    %sub3A_114 = arith.subf %min3A_110, %max3A_104 : vector<512x2048xf32>
    %jit3A_115 = arith.constant 0.000000e+00 : f32
    %max3A_116 = vector.broadcast %jit3A_115 : f32 to vector<512x2048xf32>
    %max3A_117 = arith.maximumf %max3A_116, %sub3A_114 : vector<512x2048xf32>
    %sub3A_118 = arith.subf %min3A_113, %max3A_107 : vector<512x2048xf32>
    %jit3A_119 = arith.constant 0.000000e+00 : f32
    %max3A_120 = vector.broadcast %jit3A_119 : f32 to vector<512x2048xf32>
    %max3A_121 = arith.maximumf %max3A_120, %sub3A_118 : vector<512x2048xf32>
    %mul3A_122 = arith.mulf %max3A_117, %max3A_121 : vector<512x2048xf32>
    %add3A_123 = vector.broadcast %mul3A_101 : vector<512x1xf32> to vector<512x2048xf32>
    %add3A_124 = vector.broadcast %mul3A_27 : vector<1x2048xf32> to vector<512x2048xf32>
    %add3A_125 = arith.addf %add3A_123, %add3A_124 : vector<512x2048xf32>
    %sub3A_126 = arith.subf %add3A_125, %mul3A_122 : vector<512x2048xf32>
    %add3A_127 = arith.constant 9.99999971E-10 : f32
    %add3A_128 = vector.broadcast %add3A_127 : f32 to vector<512x2048xf32>
    %add3A_129 = arith.addf %sub3A_126, %add3A_128 : vector<512x2048xf32>
    %div3A_130 = arith.divf %mul3A_122, %add3A_129 : vector<512x2048xf32>
    %iota3A_131 = tpu.iota {dimensions = array<i32: 0>} : vector<512x1xi32>
    %add3A_132 = arith.constant 512 : i32
    %add3A_133 = vector.broadcast %add3A_132 : i32 to vector<512x1xi32>
    %add3A_134 = arith.addi %iota3A_131, %add3A_133 : vector<512x1xi32>
    %gt3A_135 = arith.constant 4.500000e-01 : f32
    %gt3A_136 = vector.broadcast %gt3A_135 : f32 to vector<512x2048xf32>
    %gt3A_137 = arith.cmpf ogt, %div3A_130, %gt3A_136 : vector<512x2048xf32>
    %gt3A_138 = vector.broadcast %iota3A : vector<1x2048xi32> to vector<512x2048xi32>
    %gt3A_139 = vector.broadcast %add3A_134 : vector<512x1xi32> to vector<512x2048xi32>
    %gt3A_140 = arith.cmpi sgt, %gt3A_138, %gt3A_139 : vector<512x2048xi32>
    %and3A_141 = arith.andi %gt3A_137, %gt3A_140 : vector<512x2048xi1>
    %jit3A_142 = arith.constant 1.000000e+00 : f32
    %jit3A_143 = arith.constant 0.000000e+00 : f32
    %broadcast_in_dim3A_144 = vector.broadcast %jit3A_142 : f32 to vector<512x2048xf32>
    %broadcast_in_dim3A_145 = vector.broadcast %jit3A_143 : f32 to vector<512x2048xf32>
    %select_n3A_146 = arith.select %and3A_141, %broadcast_in_dim3A_144, %broadcast_in_dim3A_145 : vector<512x2048xi1>, vector<512x2048xf32>
    %slice3A_147 = vector.extract_strided_slice %select_n3A_146 {offsets = [0, 512], sizes = [512, 512], strides = [1, 1]} : vector<512x2048xf32> to vector<512x512xf32>
    %slice3A_148 = vector.extract_strided_slice %gt3A_29 {offsets = [0, 512], sizes = [1, 512], strides = [1, 1]} : vector<1x2048xi1> to vector<1x512xi1>
    %slice3A_149 = vector.extract_strided_slice %or3A {offsets = [0, 512], sizes = [1, 512], strides = [1, 1]} : vector<1x2048xi1> to vector<1x512xi1>
    %not3A_150 = arith.constant dense<true> : vector<1x512xi1>
    %not3A_151 = arith.xori %slice3A_149, %not3A_150 : vector<1x512xi1>
    %and3A_152 = arith.andi %slice3A_148, %not3A_151 : vector<1x512xi1>
    %jit3A_153 = arith.constant 1.000000e+00 : f32
    %jit3A_154 = arith.constant 0.000000e+00 : f32
    %broadcast_in_dim3A_155 = vector.broadcast %jit3A_153 : f32 to vector<1x512xf32>
    %broadcast_in_dim3A_156 = vector.broadcast %jit3A_154 : f32 to vector<1x512xf32>
    %select_n3A_157 = arith.select %and3A_152, %broadcast_in_dim3A_155, %broadcast_in_dim3A_156 : vector<1x512xi1>, vector<1x512xf32>
    %while3A_158 = arith.constant true
    %while3A_159:2 = scf.while (%while3A_318 = %select_n3A_157, %while3A_319 = %while3A_158) : (vector<1x512xf32>, i1) -> (vector<1x512xf32>, i1) {
      scf.condition(%while3A_319) %while3A_318, %while3A_319 : vector<1x512xf32>, i1
    } do {
    ^bb0(%while3A_318: vector<1x512xf32>, %while3A_319: i1):
      %dot_general3A_320 = arith.constant dense<0.000000e+00> : vector<1x512xf32>
      %dot_general3A_321 = tpu.matmul %while3A_318, %slice3A_147, %dot_general3A_320 {dimension_numbers = #tpu.dot_dimension_numbers<[1], [0], [0], [1], [0, 0, 1, 1], [], []>, transpose_lhs_hint = false} : vector<1x512xf32>, vector<512x512xf32>, vector<1x512xf32> -> vector<1x512xf32>
      %eq3A = arith.constant 0.000000e+00 : f32
      %eq3A_322 = vector.broadcast %eq3A : f32 to vector<1x512xf32>
      %eq3A_323 = arith.cmpf oeq, %dot_general3A_321, %eq3A_322 : vector<1x512xf32>
      %jit3A_324 = arith.constant 0.000000e+00 : f32
      %broadcast_in_dim3A_325 = vector.broadcast %jit3A_324 : f32 to vector<1x512xf32>
      %select_n3A_326 = arith.select %eq3A_323, %select_n3A_157, %broadcast_in_dim3A_325 : vector<1x512xi1>, vector<1x512xf32>
      %ne3A = arith.cmpf one, %select_n3A_326, %while3A_318 : vector<1x512xf32>
      %reduce_or3A = arith.constant 1.000000e+00 : f32
      %reduce_or3A_327 = arith.constant 0.000000e+00 : f32
      %reduce_or3A_328 = vector.broadcast %reduce_or3A : f32 to vector<1x512xf32>
      %reduce_or3A_329 = vector.broadcast %reduce_or3A_327 : f32 to vector<1x512xf32>
      %reduce_or3A_330 = arith.select %ne3A, %reduce_or3A_328, %reduce_or3A_329 : vector<1x512xi1>, vector<1x512xf32>
      %reduce_or3A_331 = vector.shape_cast %reduce_or3A_330 : vector<1x512xf32> to vector<1x1x512xf32>
      %reduce_or3A_332 = arith.constant dense<0xFF800000> : vector<1xf32>
      %reduce_or3A_333 = vector.multi_reduction <maximumf>, %reduce_or3A_331, %reduce_or3A_332 [1, 2] : vector<1x1x512xf32> to vector<1xf32>
      %reduce_or3A_334 = vector.shape_cast %reduce_or3A_333 : vector<1xf32> to vector<1x1x1xf32>
      %reduce_or3A_335 = vector.extract %reduce_or3A_334[0, 0, 0] : f32 from vector<1x1x1xf32>
      %reduce_or3A_336 = arith.constant 0.000000e+00 : f32
      %reduce_or3A_337 = arith.cmpf ogt, %reduce_or3A_335, %reduce_or3A_336 : f32
      scf.yield %select_n3A_326, %reduce_or3A_337 : vector<1x512xf32>, i1
    }
    %dot_general3A_160 = arith.constant dense<0.000000e+00> : vector<1x2048xf32>
    %dot_general3A_161 = tpu.matmul %while3A_159#0, %select_n3A_146, %dot_general3A_160 {dimension_numbers = #tpu.dot_dimension_numbers<[1], [0], [0], [1], [0, 0, 1, 1], [], []>, transpose_lhs_hint = false} : vector<1x512xf32>, vector<512x2048xf32>, vector<1x2048xf32> -> vector<1x2048xf32>
    %gt3A_162 = arith.constant 0.000000e+00 : f32
    %gt3A_163 = vector.broadcast %gt3A_162 : f32 to vector<1x2048xf32>
    %gt3A_164 = arith.cmpf ogt, %dot_general3A_161, %gt3A_163 : vector<1x2048xf32>
    %or3A_165 = arith.ori %or3A, %gt3A_164 : vector<1x2048xi1>
    %gt3A_166 = arith.constant 0.000000e+00 : f32
    %gt3A_167 = vector.broadcast %gt3A_166 : f32 to vector<1x512xf32>
    %gt3A_168 = arith.cmpf ogt, %while3A_159#0, %gt3A_167 : vector<1x512xf32>
    %slice3A_169 = vector.extract_strided_slice %add3A_12 {offsets = [1024, 0], sizes = [512, 1], strides = [1, 1]} : vector<2048x4xf32> to vector<512x1xf32>
    %slice3A_170 = vector.extract_strided_slice %add3A_12 {offsets = [1024, 1], sizes = [512, 1], strides = [1, 1]} : vector<2048x4xf32> to vector<512x1xf32>
    %slice3A_171 = vector.extract_strided_slice %add3A_12 {offsets = [1024, 2], sizes = [512, 1], strides = [1, 1]} : vector<2048x4xf32> to vector<512x1xf32>
    %slice3A_172 = vector.extract_strided_slice %add3A_12 {offsets = [1024, 3], sizes = [512, 1], strides = [1, 1]} : vector<2048x4xf32> to vector<512x1xf32>
    %sub3A_173 = arith.subf %slice3A_171, %slice3A_169 : vector<512x1xf32>
    %sub3A_174 = arith.subf %slice3A_172, %slice3A_170 : vector<512x1xf32>
    %mul3A_175 = arith.mulf %sub3A_173, %sub3A_174 : vector<512x1xf32>
    %max3A_176 = vector.broadcast %slice3A_169 : vector<512x1xf32> to vector<512x2048xf32>
    %max3A_177 = vector.broadcast %add3A_18 : vector<1x2048xf32> to vector<512x2048xf32>
    %max3A_178 = arith.maximumf %max3A_176, %max3A_177 : vector<512x2048xf32>
    %max3A_179 = vector.broadcast %slice3A_170 : vector<512x1xf32> to vector<512x2048xf32>
    %max3A_180 = vector.broadcast %add3A_20 : vector<1x2048xf32> to vector<512x2048xf32>
    %max3A_181 = arith.maximumf %max3A_179, %max3A_180 : vector<512x2048xf32>
    %min3A_182 = vector.broadcast %slice3A_171 : vector<512x1xf32> to vector<512x2048xf32>
    %min3A_183 = vector.broadcast %add3A_22 : vector<1x2048xf32> to vector<512x2048xf32>
    %min3A_184 = arith.minimumf %min3A_182, %min3A_183 : vector<512x2048xf32>
    %min3A_185 = vector.broadcast %slice3A_172 : vector<512x1xf32> to vector<512x2048xf32>
    %min3A_186 = vector.broadcast %add3A_24 : vector<1x2048xf32> to vector<512x2048xf32>
    %min3A_187 = arith.minimumf %min3A_185, %min3A_186 : vector<512x2048xf32>
    %sub3A_188 = arith.subf %min3A_184, %max3A_178 : vector<512x2048xf32>
    %jit3A_189 = arith.constant 0.000000e+00 : f32
    %max3A_190 = vector.broadcast %jit3A_189 : f32 to vector<512x2048xf32>
    %max3A_191 = arith.maximumf %max3A_190, %sub3A_188 : vector<512x2048xf32>
    %sub3A_192 = arith.subf %min3A_187, %max3A_181 : vector<512x2048xf32>
    %jit3A_193 = arith.constant 0.000000e+00 : f32
    %max3A_194 = vector.broadcast %jit3A_193 : f32 to vector<512x2048xf32>
    %max3A_195 = arith.maximumf %max3A_194, %sub3A_192 : vector<512x2048xf32>
    %mul3A_196 = arith.mulf %max3A_191, %max3A_195 : vector<512x2048xf32>
    %add3A_197 = vector.broadcast %mul3A_175 : vector<512x1xf32> to vector<512x2048xf32>
    %add3A_198 = vector.broadcast %mul3A_27 : vector<1x2048xf32> to vector<512x2048xf32>
    %add3A_199 = arith.addf %add3A_197, %add3A_198 : vector<512x2048xf32>
    %sub3A_200 = arith.subf %add3A_199, %mul3A_196 : vector<512x2048xf32>
    %add3A_201 = arith.constant 9.99999971E-10 : f32
    %add3A_202 = vector.broadcast %add3A_201 : f32 to vector<512x2048xf32>
    %add3A_203 = arith.addf %sub3A_200, %add3A_202 : vector<512x2048xf32>
    %div3A_204 = arith.divf %mul3A_196, %add3A_203 : vector<512x2048xf32>
    %iota3A_205 = tpu.iota {dimensions = array<i32: 0>} : vector<512x1xi32>
    %add3A_206 = arith.constant 1024 : i32
    %add3A_207 = vector.broadcast %add3A_206 : i32 to vector<512x1xi32>
    %add3A_208 = arith.addi %iota3A_205, %add3A_207 : vector<512x1xi32>
    %gt3A_209 = arith.constant 4.500000e-01 : f32
    %gt3A_210 = vector.broadcast %gt3A_209 : f32 to vector<512x2048xf32>
    %gt3A_211 = arith.cmpf ogt, %div3A_204, %gt3A_210 : vector<512x2048xf32>
    %gt3A_212 = vector.broadcast %iota3A : vector<1x2048xi32> to vector<512x2048xi32>
    %gt3A_213 = vector.broadcast %add3A_208 : vector<512x1xi32> to vector<512x2048xi32>
    %gt3A_214 = arith.cmpi sgt, %gt3A_212, %gt3A_213 : vector<512x2048xi32>
    %and3A_215 = arith.andi %gt3A_211, %gt3A_214 : vector<512x2048xi1>
    %jit3A_216 = arith.constant 1.000000e+00 : f32
    %jit3A_217 = arith.constant 0.000000e+00 : f32
    %broadcast_in_dim3A_218 = vector.broadcast %jit3A_216 : f32 to vector<512x2048xf32>
    %broadcast_in_dim3A_219 = vector.broadcast %jit3A_217 : f32 to vector<512x2048xf32>
    %select_n3A_220 = arith.select %and3A_215, %broadcast_in_dim3A_218, %broadcast_in_dim3A_219 : vector<512x2048xi1>, vector<512x2048xf32>
    %slice3A_221 = vector.extract_strided_slice %select_n3A_220 {offsets = [0, 1024], sizes = [512, 512], strides = [1, 1]} : vector<512x2048xf32> to vector<512x512xf32>
    %slice3A_222 = vector.extract_strided_slice %gt3A_29 {offsets = [0, 1024], sizes = [1, 512], strides = [1, 1]} : vector<1x2048xi1> to vector<1x512xi1>
    %slice3A_223 = vector.extract_strided_slice %or3A_165 {offsets = [0, 1024], sizes = [1, 512], strides = [1, 1]} : vector<1x2048xi1> to vector<1x512xi1>
    %not3A_224 = arith.constant dense<true> : vector<1x512xi1>
    %not3A_225 = arith.xori %slice3A_223, %not3A_224 : vector<1x512xi1>
    %and3A_226 = arith.andi %slice3A_222, %not3A_225 : vector<1x512xi1>
    %jit3A_227 = arith.constant 1.000000e+00 : f32
    %jit3A_228 = arith.constant 0.000000e+00 : f32
    %broadcast_in_dim3A_229 = vector.broadcast %jit3A_227 : f32 to vector<1x512xf32>
    %broadcast_in_dim3A_230 = vector.broadcast %jit3A_228 : f32 to vector<1x512xf32>
    %select_n3A_231 = arith.select %and3A_226, %broadcast_in_dim3A_229, %broadcast_in_dim3A_230 : vector<1x512xi1>, vector<1x512xf32>
    %while3A_232 = arith.constant true
    %while3A_233:2 = scf.while (%while3A_318 = %select_n3A_231, %while3A_319 = %while3A_232) : (vector<1x512xf32>, i1) -> (vector<1x512xf32>, i1) {
      scf.condition(%while3A_319) %while3A_318, %while3A_319 : vector<1x512xf32>, i1
    } do {
    ^bb0(%while3A_318: vector<1x512xf32>, %while3A_319: i1):
      %dot_general3A_320 = arith.constant dense<0.000000e+00> : vector<1x512xf32>
      %dot_general3A_321 = tpu.matmul %while3A_318, %slice3A_221, %dot_general3A_320 {dimension_numbers = #tpu.dot_dimension_numbers<[1], [0], [0], [1], [0, 0, 1, 1], [], []>, transpose_lhs_hint = false} : vector<1x512xf32>, vector<512x512xf32>, vector<1x512xf32> -> vector<1x512xf32>
      %eq3A = arith.constant 0.000000e+00 : f32
      %eq3A_322 = vector.broadcast %eq3A : f32 to vector<1x512xf32>
      %eq3A_323 = arith.cmpf oeq, %dot_general3A_321, %eq3A_322 : vector<1x512xf32>
      %jit3A_324 = arith.constant 0.000000e+00 : f32
      %broadcast_in_dim3A_325 = vector.broadcast %jit3A_324 : f32 to vector<1x512xf32>
      %select_n3A_326 = arith.select %eq3A_323, %select_n3A_231, %broadcast_in_dim3A_325 : vector<1x512xi1>, vector<1x512xf32>
      %ne3A = arith.cmpf one, %select_n3A_326, %while3A_318 : vector<1x512xf32>
      %reduce_or3A = arith.constant 1.000000e+00 : f32
      %reduce_or3A_327 = arith.constant 0.000000e+00 : f32
      %reduce_or3A_328 = vector.broadcast %reduce_or3A : f32 to vector<1x512xf32>
      %reduce_or3A_329 = vector.broadcast %reduce_or3A_327 : f32 to vector<1x512xf32>
      %reduce_or3A_330 = arith.select %ne3A, %reduce_or3A_328, %reduce_or3A_329 : vector<1x512xi1>, vector<1x512xf32>
      %reduce_or3A_331 = vector.shape_cast %reduce_or3A_330 : vector<1x512xf32> to vector<1x1x512xf32>
      %reduce_or3A_332 = arith.constant dense<0xFF800000> : vector<1xf32>
      %reduce_or3A_333 = vector.multi_reduction <maximumf>, %reduce_or3A_331, %reduce_or3A_332 [1, 2] : vector<1x1x512xf32> to vector<1xf32>
      %reduce_or3A_334 = vector.shape_cast %reduce_or3A_333 : vector<1xf32> to vector<1x1x1xf32>
      %reduce_or3A_335 = vector.extract %reduce_or3A_334[0, 0, 0] : f32 from vector<1x1x1xf32>
      %reduce_or3A_336 = arith.constant 0.000000e+00 : f32
      %reduce_or3A_337 = arith.cmpf ogt, %reduce_or3A_335, %reduce_or3A_336 : f32
      scf.yield %select_n3A_326, %reduce_or3A_337 : vector<1x512xf32>, i1
    }
    %dot_general3A_234 = arith.constant dense<0.000000e+00> : vector<1x2048xf32>
    %dot_general3A_235 = tpu.matmul %while3A_233#0, %select_n3A_220, %dot_general3A_234 {dimension_numbers = #tpu.dot_dimension_numbers<[1], [0], [0], [1], [0, 0, 1, 1], [], []>, transpose_lhs_hint = false} : vector<1x512xf32>, vector<512x2048xf32>, vector<1x2048xf32> -> vector<1x2048xf32>
    %gt3A_236 = arith.constant 0.000000e+00 : f32
    %gt3A_237 = vector.broadcast %gt3A_236 : f32 to vector<1x2048xf32>
    %gt3A_238 = arith.cmpf ogt, %dot_general3A_235, %gt3A_237 : vector<1x2048xf32>
    %or3A_239 = arith.ori %or3A_165, %gt3A_238 : vector<1x2048xi1>
    %gt3A_240 = arith.constant 0.000000e+00 : f32
    %gt3A_241 = vector.broadcast %gt3A_240 : f32 to vector<1x512xf32>
    %gt3A_242 = arith.cmpf ogt, %while3A_233#0, %gt3A_241 : vector<1x512xf32>
    %slice3A_243 = vector.extract_strided_slice %add3A_12 {offsets = [1536, 0], sizes = [512, 1], strides = [1, 1]} : vector<2048x4xf32> to vector<512x1xf32>
    %slice3A_244 = vector.extract_strided_slice %add3A_12 {offsets = [1536, 1], sizes = [512, 1], strides = [1, 1]} : vector<2048x4xf32> to vector<512x1xf32>
    %slice3A_245 = vector.extract_strided_slice %add3A_12 {offsets = [1536, 2], sizes = [512, 1], strides = [1, 1]} : vector<2048x4xf32> to vector<512x1xf32>
    %slice3A_246 = vector.extract_strided_slice %add3A_12 {offsets = [1536, 3], sizes = [512, 1], strides = [1, 1]} : vector<2048x4xf32> to vector<512x1xf32>
    %sub3A_247 = arith.subf %slice3A_245, %slice3A_243 : vector<512x1xf32>
    %sub3A_248 = arith.subf %slice3A_246, %slice3A_244 : vector<512x1xf32>
    %mul3A_249 = arith.mulf %sub3A_247, %sub3A_248 : vector<512x1xf32>
    %max3A_250 = vector.broadcast %slice3A_243 : vector<512x1xf32> to vector<512x2048xf32>
    %max3A_251 = vector.broadcast %add3A_18 : vector<1x2048xf32> to vector<512x2048xf32>
    %max3A_252 = arith.maximumf %max3A_250, %max3A_251 : vector<512x2048xf32>
    %max3A_253 = vector.broadcast %slice3A_244 : vector<512x1xf32> to vector<512x2048xf32>
    %max3A_254 = vector.broadcast %add3A_20 : vector<1x2048xf32> to vector<512x2048xf32>
    %max3A_255 = arith.maximumf %max3A_253, %max3A_254 : vector<512x2048xf32>
    %min3A_256 = vector.broadcast %slice3A_245 : vector<512x1xf32> to vector<512x2048xf32>
    %min3A_257 = vector.broadcast %add3A_22 : vector<1x2048xf32> to vector<512x2048xf32>
    %min3A_258 = arith.minimumf %min3A_256, %min3A_257 : vector<512x2048xf32>
    %min3A_259 = vector.broadcast %slice3A_246 : vector<512x1xf32> to vector<512x2048xf32>
    %min3A_260 = vector.broadcast %add3A_24 : vector<1x2048xf32> to vector<512x2048xf32>
    %min3A_261 = arith.minimumf %min3A_259, %min3A_260 : vector<512x2048xf32>
    %sub3A_262 = arith.subf %min3A_258, %max3A_252 : vector<512x2048xf32>
    %jit3A_263 = arith.constant 0.000000e+00 : f32
    %max3A_264 = vector.broadcast %jit3A_263 : f32 to vector<512x2048xf32>
    %max3A_265 = arith.maximumf %max3A_264, %sub3A_262 : vector<512x2048xf32>
    %sub3A_266 = arith.subf %min3A_261, %max3A_255 : vector<512x2048xf32>
    %jit3A_267 = arith.constant 0.000000e+00 : f32
    %max3A_268 = vector.broadcast %jit3A_267 : f32 to vector<512x2048xf32>
    %max3A_269 = arith.maximumf %max3A_268, %sub3A_266 : vector<512x2048xf32>
    %mul3A_270 = arith.mulf %max3A_265, %max3A_269 : vector<512x2048xf32>
    %add3A_271 = vector.broadcast %mul3A_249 : vector<512x1xf32> to vector<512x2048xf32>
    %add3A_272 = vector.broadcast %mul3A_27 : vector<1x2048xf32> to vector<512x2048xf32>
    %add3A_273 = arith.addf %add3A_271, %add3A_272 : vector<512x2048xf32>
    %sub3A_274 = arith.subf %add3A_273, %mul3A_270 : vector<512x2048xf32>
    %add3A_275 = arith.constant 9.99999971E-10 : f32
    %add3A_276 = vector.broadcast %add3A_275 : f32 to vector<512x2048xf32>
    %add3A_277 = arith.addf %sub3A_274, %add3A_276 : vector<512x2048xf32>
    %div3A_278 = arith.divf %mul3A_270, %add3A_277 : vector<512x2048xf32>
    %iota3A_279 = tpu.iota {dimensions = array<i32: 0>} : vector<512x1xi32>
    %add3A_280 = arith.constant 1536 : i32
    %add3A_281 = vector.broadcast %add3A_280 : i32 to vector<512x1xi32>
    %add3A_282 = arith.addi %iota3A_279, %add3A_281 : vector<512x1xi32>
    %gt3A_283 = arith.constant 4.500000e-01 : f32
    %gt3A_284 = vector.broadcast %gt3A_283 : f32 to vector<512x2048xf32>
    %gt3A_285 = arith.cmpf ogt, %div3A_278, %gt3A_284 : vector<512x2048xf32>
    %gt3A_286 = vector.broadcast %iota3A : vector<1x2048xi32> to vector<512x2048xi32>
    %gt3A_287 = vector.broadcast %add3A_282 : vector<512x1xi32> to vector<512x2048xi32>
    %gt3A_288 = arith.cmpi sgt, %gt3A_286, %gt3A_287 : vector<512x2048xi32>
    %and3A_289 = arith.andi %gt3A_285, %gt3A_288 : vector<512x2048xi1>
    %jit3A_290 = arith.constant 1.000000e+00 : f32
    %jit3A_291 = arith.constant 0.000000e+00 : f32
    %broadcast_in_dim3A_292 = vector.broadcast %jit3A_290 : f32 to vector<512x2048xf32>
    %broadcast_in_dim3A_293 = vector.broadcast %jit3A_291 : f32 to vector<512x2048xf32>
    %select_n3A_294 = arith.select %and3A_289, %broadcast_in_dim3A_292, %broadcast_in_dim3A_293 : vector<512x2048xi1>, vector<512x2048xf32>
    %slice3A_295 = vector.extract_strided_slice %select_n3A_294 {offsets = [0, 1536], sizes = [512, 512], strides = [1, 1]} : vector<512x2048xf32> to vector<512x512xf32>
    %slice3A_296 = vector.extract_strided_slice %gt3A_29 {offsets = [0, 1536], sizes = [1, 512], strides = [1, 1]} : vector<1x2048xi1> to vector<1x512xi1>
    %slice3A_297 = vector.extract_strided_slice %or3A_239 {offsets = [0, 1536], sizes = [1, 512], strides = [1, 1]} : vector<1x2048xi1> to vector<1x512xi1>
    %not3A_298 = arith.constant dense<true> : vector<1x512xi1>
    %not3A_299 = arith.xori %slice3A_297, %not3A_298 : vector<1x512xi1>
    %and3A_300 = arith.andi %slice3A_296, %not3A_299 : vector<1x512xi1>
    %jit3A_301 = arith.constant 1.000000e+00 : f32
    %jit3A_302 = arith.constant 0.000000e+00 : f32
    %broadcast_in_dim3A_303 = vector.broadcast %jit3A_301 : f32 to vector<1x512xf32>
    %broadcast_in_dim3A_304 = vector.broadcast %jit3A_302 : f32 to vector<1x512xf32>
    %select_n3A_305 = arith.select %and3A_300, %broadcast_in_dim3A_303, %broadcast_in_dim3A_304 : vector<1x512xi1>, vector<1x512xf32>
    %while3A_306 = arith.constant true
    %while3A_307:2 = scf.while (%while3A_318 = %select_n3A_305, %while3A_319 = %while3A_306) : (vector<1x512xf32>, i1) -> (vector<1x512xf32>, i1) {
      scf.condition(%while3A_319) %while3A_318, %while3A_319 : vector<1x512xf32>, i1
    } do {
    ^bb0(%while3A_318: vector<1x512xf32>, %while3A_319: i1):
      %dot_general3A_320 = arith.constant dense<0.000000e+00> : vector<1x512xf32>
      %dot_general3A_321 = tpu.matmul %while3A_318, %slice3A_295, %dot_general3A_320 {dimension_numbers = #tpu.dot_dimension_numbers<[1], [0], [0], [1], [0, 0, 1, 1], [], []>, transpose_lhs_hint = false} : vector<1x512xf32>, vector<512x512xf32>, vector<1x512xf32> -> vector<1x512xf32>
      %eq3A = arith.constant 0.000000e+00 : f32
      %eq3A_322 = vector.broadcast %eq3A : f32 to vector<1x512xf32>
      %eq3A_323 = arith.cmpf oeq, %dot_general3A_321, %eq3A_322 : vector<1x512xf32>
      %jit3A_324 = arith.constant 0.000000e+00 : f32
      %broadcast_in_dim3A_325 = vector.broadcast %jit3A_324 : f32 to vector<1x512xf32>
      %select_n3A_326 = arith.select %eq3A_323, %select_n3A_305, %broadcast_in_dim3A_325 : vector<1x512xi1>, vector<1x512xf32>
      %ne3A = arith.cmpf one, %select_n3A_326, %while3A_318 : vector<1x512xf32>
      %reduce_or3A = arith.constant 1.000000e+00 : f32
      %reduce_or3A_327 = arith.constant 0.000000e+00 : f32
      %reduce_or3A_328 = vector.broadcast %reduce_or3A : f32 to vector<1x512xf32>
      %reduce_or3A_329 = vector.broadcast %reduce_or3A_327 : f32 to vector<1x512xf32>
      %reduce_or3A_330 = arith.select %ne3A, %reduce_or3A_328, %reduce_or3A_329 : vector<1x512xi1>, vector<1x512xf32>
      %reduce_or3A_331 = vector.shape_cast %reduce_or3A_330 : vector<1x512xf32> to vector<1x1x512xf32>
      %reduce_or3A_332 = arith.constant dense<0xFF800000> : vector<1xf32>
      %reduce_or3A_333 = vector.multi_reduction <maximumf>, %reduce_or3A_331, %reduce_or3A_332 [1, 2] : vector<1x1x512xf32> to vector<1xf32>
      %reduce_or3A_334 = vector.shape_cast %reduce_or3A_333 : vector<1xf32> to vector<1x1x1xf32>
      %reduce_or3A_335 = vector.extract %reduce_or3A_334[0, 0, 0] : f32 from vector<1x1x1xf32>
      %reduce_or3A_336 = arith.constant 0.000000e+00 : f32
      %reduce_or3A_337 = arith.cmpf ogt, %reduce_or3A_335, %reduce_or3A_336 : f32
      scf.yield %select_n3A_326, %reduce_or3A_337 : vector<1x512xf32>, i1
    }
    %gt3A_308 = arith.constant 0.000000e+00 : f32
    %gt3A_309 = vector.broadcast %gt3A_308 : f32 to vector<1x512xf32>
    %gt3A_310 = arith.cmpf ogt, %while3A_307#0, %gt3A_309 : vector<1x512xf32>
    %concatenate3A = tpu.concatenate %gt3A_94, %gt3A_168, %gt3A_242, %gt3A_310 in 1 : vector<1x512xi1>, vector<1x512xi1>, vector<1x512xi1>, vector<1x512xi1> -> vector<1x2048xi1>
    %jit3A_311 = arith.constant -1.000000e+09 : f32
    %broadcast_in_dim3A_312 = vector.broadcast %jit3A_311 : f32 to vector<1x2048xf32>
    %select_n3A_313 = arith.select %concatenate3A, %slice3A_25, %broadcast_in_dim3A_312 : vector<1x2048xi1>, vector<1x2048xf32>
    %broadcast_in_dim3A_314 = vector.shape_cast %select_n3A_313 : vector<1x2048xf32> to vector<1x1x2048xf32>
    %swap3A = arith.constant 0 : index
    %swap3A_315 = arith.constant 0 : index
    %swap3A_316 = arith.constant 0 : index
    %swap3A_317 = vector.load %arg3[%swap3A, %swap3A_315, %swap3A_316] : memref<1x1x2048xf32, #tpu.memory_space<vmem>>, vector<1x1x2048xf32>
    tpu.vector_store %arg3[%swap3A, %swap3A_315, %swap3A_316], %broadcast_in_dim3A_314 {strides = array<i32>} : memref<1x1x2048xf32, #tpu.memory_space<vmem>>, vector<1x1x2048xf32>,
    return
  }
  func.func @transform_0(%arg0: i32) -> (i32, i32, i32) {
    %c0_i32 = arith.constant 0 : i32
    %c0_i32_0 = arith.constant 0 : i32
    %c0_i32_1 = arith.constant 0 : i32
    return %arg0, %c0_i32, %c0_i32_0 : i32, i32, i32
  }
  func.func @transform_1(%arg0: i32) -> (i32, i32, i32) {
    %c0_i32 = arith.constant 0 : i32
    %c0_i32_0 = arith.constant 0 : i32
    %c0_i32_1 = arith.constant 0 : i32
    return %arg0, %c0_i32, %c0_i32_0 : i32, i32, i32
  }
  func.func @transform_2(%arg0: i32) -> (i32, i32, i32) {
    %c0_i32 = arith.constant 0 : i32
    %c0_i32_0 = arith.constant 0 : i32
    %c0_i32_1 = arith.constant 0 : i32
    return %arg0, %c0_i32, %c0_i32_0 : i32, i32, i32
  }
}

</mosaic_0001>

<sc_bundles>
// kernel: gather_offload_async_start.1
scs
__scs_entry_jumppad:
0x0: {  	(pc) =	sbr.rel $0x88, $3  }
0x1: {  	(tag) =	ssettag $0x0;
	lr =	simm.s32 $0x1  }
0x2: {  	[smem:$0x3FA0] =	sst lr;
	_ =	strace $0xD0000000  }
0x3: {  	_ = 	snop  }
0x4: {  	_ = 	snop  }
0x5: {  	_ = 	snop  }
0x6: {  	_ = 	snop  }
0x7: {  	_ = 	snop  }
__scs_overlays_trampoline_lowered:
0x8: {  	[smem:$0x3FAF] =	sst s0  }
0x9: {  	[smem:$0x3FB0] =	sst s1  }
0xa: {  	[smem:$0x3FB1] =	sst s2  }
0xb: {  	[smem:$0x3FB2] =	sst s3  }
0xc: {  	[smem:$0x3FB3] =	sst s4  }
0xd: {  	[smem:$0x3FB4] =	sst s5  }
0xe: {  	[smem:$0x3FB5] =	sst s6  }
0xf: {  	[smem:$0x3FB6] =	sst s7  }
0x10: {  	[smem:$0x3FB7] =	sst s8  }
0x11: {  	[smem:$0x3FB8] =	sst s9;
	s0 =	simm.s32 @!p0 $0x0  }
0x12: {  	s1 =	sld [smem:$0x3F9E];
	s0 =	simm.s32 @p0 $0x1  }
0x13: {  	[smem:$0x3FB9] =	sst s0;
	s0 =	simm.s32 @!p1 $0x0  }
0x14: {  	s2 =	sld [smem:$0x3F9D];
	s0 =	simm.s32 @p1 $0x1  }
0x15: {  	[smem:$0x3FBA] =	sst s0;
	s0 =	simm.s32 @!p2 $0x0  }
0x16: {  	s3 =	sld [smem:$0x3FDB];
	s0 =	simm.s32 @p2 $0x1  }
0x17: {  	s4 =	simm.s32 $0x1BF5;
	[smem:$0x3FBC] =	sst s0  }
0x18: {  	s0 =	sld [smem:$0x3F9F];
	_ =	swait.ge [sflag:s4], $0x0  }
0x19: {  	s7 =	sld [smem:$0x3FA0]  }
0x1a: {  	s8 =	sadd.s32 $0xFFFFE003, lr  }
0x1b: {  	s9 =	sadd.s32 $0xFFFFFEF7, lr;
	s5 =	simm.s32 $0xFFFFFFFF;
	p2 =	slt.u32 s8, $0xFFFFF086  }
0x1c: {  	p1 =	slt.u32 s9, $0xF7A;
	s5 =	simm.s32 @!p2 $0x0  }
0x1d: {  	s5 =	simm.s32 @p1 $0x1;
	p0 =	seq.s32 s7, s2  }
0x1e: {  	s7 =	smul.u32 @!p0 $0xF7A, s2;
	p2 =	seq.s32 @!p0 s5, $0x0  }
0x1f: {  	s9 =	smul.u32 $0xF7A, s1;
	s8 =	simm.s32 @!p0 $0x1BF5;
	p2 =	por !p2, p0  }
0x20: {  	[sflag:s8] =	ssyncset.s32 @!p0 $0xFFFFF086;
	s6 =	sadd.s32 @!p0 s3, s7;
	s7 =	simm.s32 @!p0 $0x108  }
0x21: {  	s3 =	sadd.s32 s3, s9;
	s6 =	sadd.s32 @!p0 $0x88, s6;
	s7 =	simm.s32 @p2 $0x1082  }
0x22: {  	[simem:s7], [sflag:s8] =	dma.local @!p0 [hbm:s6], $0xF7A  }
0x23: {  	s9 =	sor.u32 $0xD0000000, s2;
	s6 =	simm.s32 $0x108;
	_ =	swait.ge @!p0 [sflag:s8], $0x0  }
0x24: {  	s3 =	sadd.s32 $0x88, s3;
	s6 =	simm.s32 @!p1 $0x1082;
	[sflag:s4] =	ssyncset.s32 $0xFFFFF086  }
0x25: {  	[simem:s6], [sflag:s4] =	dma.local [hbm:s3], $0xF7A  }
0x26: {  	[smem:$0x3FA0] =	sst s1;
	(tag) =	ssettag s2;
	_ =	strace s9  }
0x27: {  	s1 =	sld [smem:$0x3FB0]  }
0x28: {  	s2 =	sld [smem:$0x3FB1]  }
0x29: {  	s4 =	sld [smem:$0x3FB3]  }
0x2a: {  	p0 =	seq.s32 s5, $0x0;
	s5 =	sld [smem:$0x3FB4]  }
0x2b: {  	s6 =	sld [smem:$0x3FB5]  }
0x2c: {  	s7 =	sld [smem:$0x3FB6]  }
0x2d: {  	s3 =	simm.s32 $0x108;
	s8 =	sld [smem:$0x3FB7]  }
0x2e: {  	s3 =	simm.s32 @!p0 $0x1082;
	s9 =	sld [smem:$0x3FB8]  }
0x2f: {  	lr =	sadd.s32 s0, s3;
	s0 =	sld [smem:$0x3FAF]  }
0x30: {  	s3 =	sld [smem:$0x3FB2]  }
0x31: {  	[smem:$0x3FBB] =	sst s10  }
0x32: {  	s10 =	sld [smem:$0x3FB9];
	_ =	sdelay $0x3  }
0x33: {  	p0 =	seq.s32 s10, $0x1;
	s10 =	sld [smem:$0x3FBB];
	_ =	sdelay $0x3  }
0x34: {  	[smem:$0x3FBB] =	sst s10  }
0x35: {  	s10 =	sld [smem:$0x3FBA];
	_ =	sdelay $0x3  }
0x36: {  	p1 =	seq.s32 s10, $0x1;
	s10 =	sld [smem:$0x3FBB];
	_ =	sdelay $0x3  }
0x37: {  	[smem:$0x3FBB] =	sst s10  }
0x38: {  	s10 =	sld [smem:$0x3FBC]  }
0x39: {  	_ = 	snop;
	(pc) =	sbr.ind lr, $3  }
0x3a: {  	_ = 	snop  }
0x3b: {  	_ = 	snop  }
0x3c: {  	p2 =	seq.s32 s10, $0x1;
	s10 =	sld [smem:$0x3FBB]  }
0x3d: {  	_ =	shalt  }
0x3e: {  	_ =	shalt  }
0x3f: {  	_ =	shalt  }
0x40: {  	_ =	shalt  }
0x41: {  	_ =	shalt  }
0x42: {  	_ =	shalt  }
0x43: {  	_ =	shalt  }
0x44: {  	_ =	shalt  }
0x45: {  	_ =	shalt  }
0x46: {  	_ =	shalt  }
0x47: {  	_ =	shalt  }
0x48: {  	_ =	shalt  }
0x49: {  	_ =	shalt  }
0x4a: {  	_ =	shalt  }
0x4b: {  	_ =	shalt  }
0x4c: {  	_ =	shalt  }
0x4d: {  	_ =	shalt  }
0x4e: {  	_ =	shalt  }
0x4f: {  	_ =	shalt  }
0x50: {  	_ =	shalt  }
0x51: {  	_ =	shalt  }
0x52: {  	_ =	shalt  }
0x53: {  	_ =	shalt  }
0x54: {  	_ =	shalt  }
0x55: {  	_ =	shalt  }
0x56: {  	_ =	shalt  }
0x57: {  	_ =	shalt  }
0x58: {  	_ =	shalt  }
0x59: {  	_ =	shalt  }
0x5a: {  	_ =	shalt  }
0x5b: {  	_ =	shalt  }
0x5c: {  	_ =	shalt  }
0x5d: {  	_ =	shalt  }
0x5e: {  	_ =	shalt  }
0x5f: {  	_ =	shalt  }
0x60: {  	_ =	shalt  }
0x61: {  	_ =	shalt  }
0x62: {  	_ =	shalt  }
0x63: {  	_ =	shalt  }
0x64: {  	_ =	shalt  }
0x65: {  	_ =	shalt  }
0x66: {  	_ =	shalt  }
0x67: {  	_ =	shalt  }
0x68: {  	_ =	shalt  }
0x69: {  	_ =	shalt  }
0x6a: {  	_ =	shalt  }
0x6b: {  	_ =	shalt  }
0x6c: {  	_ =	shalt  }
0x6d: {  	_ =	shalt  }
0x6e: {  	_ =	shalt  }
0x6f: {  	_ =	shalt  }
0x70: {  	_ =	shalt  }
0x71: {  	_ =	shalt  }
0x72: {  	_ =	shalt  }
0x73: {  	_ =	shalt  }
0x74: {  	_ =	shalt  }
0x75: {  	_ =	shalt  }
0x76: {  	_ =	shalt  }
0x77: {  	_ =	shalt  }
0x78: {  	_ =	shalt  }
0x79: {  	_ =	shalt  }
0x7a: {  	_ =	shalt  }
0x7b: {  	_ =	shalt  }
0x7c: {  	_ =	shalt  }
0x7d: {  	_ =	shalt  }
0x7e: {  	_ =	shalt  }
0x7f: {  	_ =	shalt  }
0x80: {  	_ =	shalt  }
0x81: {  	_ =	shalt  }
0x82: {  	_ =	shalt  }
0x83: {  	_ =	shalt  }
0x84: {  	_ =	shalt  }
0x85: {  	_ =	shalt  }
0x86: {  	_ =	shalt  }
0x87: {  	_ =	shalt  }
.Lfunc_end0:
.L_simem_size_0:
called_computation.1_lowered:
.L_overlay_start_0:
0x88: {  	s2 =	sld [smem:$0x3FD9]  }
0x89: {  	s3 =	sld [smem:$0x3FFE];
	_ =	sdelay $0x1  }
0x8a: {  	s1 =	srdreg.scid  }
0x8b: {  	s0 =	sand.u32 $0x1, s1  }
0x8c: {  	s14 =	sshll.u32 s0, $0xA;
	s2 =	sadd.s32 s3, s2  }
0x8d: {  	s2 =	sadd.s32 s2, s14  }
0x8e: {  	[smem:$0x3FC7] =	sst s2  }
0x8f: {  	_ = 	snop  }
0x90: {  	s2 =	sld [smem:$0x3FD0];
	_ =	sdelay $0x2  }
0x91: {  	s15 =	simm.s32 $0xA;
	s4 =	simm.s32 $0x10  }
0x92: {  	[smem:s4], [sflag:s15] =	dma.local [hbm:s2], $0x1  }
0x93: {  	_ =	swait.eq [sflag:s15], $0x1  }
0x94: {  	[sflag:s15] =	ssyncset.done $0x0  }
0x95: {  	[sflag:s15] =	ssyncadd.s32 $0xFFFFFFFF  }
0x96: {  	s16 =	sld [smem:$0x10];
	(tm) =	ssettm $0x1  }
0x97: {  	s17 =	sld [smem:$0x3FFB];
	_ =	sdelay $0x3  }
0x98: {  	_ =	strace s17  }
0x99: {  	s3 =	sld [smem:$0x3FFC];
	_ =	sdelay $0x3  }
0x9a: {  	_ =	strace s3  }
0x9b: {  	s3 =	sld [smem:$0x3FFD];
	_ =	sdelay $0x3  }
0x9c: {  	_ =	strace s3  }
0x9d: {  	_ =	strace $0x8FFFFFFF  }
0x9e: {  	s18 =	sld [smem:$0x3FDB];
	_ =	sdelay $0x1  }
0x9f: {  	s19 =	simm.s32 $_scs_section_size  }
0xa0: {  	s5 =	simm.s32 $_size__tile_overlayer_lowered;
	s6 =	simm.s32 $_tile_overlayer_lowered  }
0xa1: {  	s22 =	simm.s32 $0x1BFF;
	s21 =	sshll.u32 s6, $0x1;
	s3 =	sadd.s32 s19, s18  }
0xa2: {  	s7 =	simm.s32 $0x0;
	s20 =	sshll.u32 s5, $0x1;
	s5 =	sadd.s32 s21, s3  }
0xa3: {  	[timem:s7], [sflag:s22] =	dma.local [hbm:s5], s20  }
0xa4: {  	_ =	swait.ge [sflag:s22], s20  }
0xa5: {  	s4 =	ssub.s32 $0x0, s20;
	[sflag:s22] =	ssyncset.done $0x0  }
0xa6: {  	[sflag:s22] =	ssyncadd.s32 s4;
	_ =	sdelay $0x1  }
0xa7: {  	s23 =	simm.s32 $0x1B8B  }
0xa8: {  	_ =	swait.ge [sflag:s23], $0x1  }
0xa9: {  	[sflag:s23] =	ssyncset.done $0x0  }
0xaa: {  	s25 =	simm.s32 $0x1B8E;
	s24 =	sld [smem:$0x3FFE];
	[sflag:s23] =	ssyncadd.s32 $0xFFFFFFFF  }
0xab: {  	s26 =	simm.s32 $execute0_lowered;
	[smem:$0x3FD2] =	sst s25  }
0xac: {  	s5 =	sshll.u32 s26, $0x1;
	_ =	strace $0x80000049;
	[dreg:$0x1] =	wrdreg $0xFFFFFFFF  }
0xad: {  	s28 =	simm.s32 $_size_execute0_lowered;
	s3 =	sadd.s32 s3, s5;
	[dreg:$0x0] =	wrdreg $0x0  }
0xae: {  	s5 =	sshll.u32 s28, $0x1;
	[dreg:$0x2] =	wrdreg s3  }
0xaf: {  	[dreg:$0x3] =	wrdreg s5  }
0xb0: {  	[dreg:$0x4] =	wrdreg $0xC0  }
0xb1: {  	_ =	task [dreg:s7], $0x5FFFF  }
0xb2: {  	[dreg:$0x1] =	wrdreg $0xFFFFFFFF  }
0xb3: {  	[dreg:$0x0] =	wrdreg $0x60  }
0xb4: {  	[dreg:$0x2] =	wrdreg s24  }
0xb5: {  	[dreg:$0x3] =	wrdreg s16  }
0xb6: {  	[dreg:$0x4] =	wrdreg $0x9  }
0xb7: {  	_ =	task.clear_ibuf [dreg:s7], $0x5FFFF;
	_ =	strace $0x90000049  }
0xb8: {  	s29 =	simm.s32 $0x9;
	_ =	strace $0x8000004B  }
0xb9: {  	_ =	swait.ge [sflag:s29], $0x1  }
0xba: {  	[sflag:s29] =	ssyncadd.s32 $0xFFFFFFFF  }
0xbb: {  	_ =	strace $0x9000004B  }
0xbc: {  	_ =	sfence  }
0xbd: {  	s30 =	sld [smem:$0x0];
	_ =	sdelay $0x2  }
0xbe: {  	s31 =	sshll.u32 s1, $0xD;
	s1 =	sshrl.u32 s1, $0x2  }
0xbf: {  	s3 =	sand.u32 $0x4000, s31;
	s1 =	sadd.s32 s1, s30  }
0xc0: {  	s0 =	sor.u32 s3, s0;
	s1 =	sshll.u32 s1, $0x11  }
0xc1: {  	s0 =	sor.u32 s1, s0  }
0xc2: {  	s0 =	sadd.s32 $0x8F2B, s0  }
0xc3: {  	[sflag:s0] =	ssyncadd.remote.s32 $0x1  }
0xc4: {  	_ =	sfence.sel $0xFFFF  }
0xc5: {  	[dreg:$0x0] =	wrdreg $0xFFFFFFFF;
	(pc) =	sbr.abs _section_cstart, $3  }
0xc6: {  	[dreg:$0x1] =	wrdreg $0xFFFFFFFF  }
0xc7: {  	_ =	task.clear_ibuf [dreg:s7], $0x2FFFF;
	_ =	strace $0x9FFFFFFF  }
0xc8: {  	(tm) =	ssettm $0x7FFFFFFF  }
0xc9: {  	_ =	shalt  }
tec
execute0_lowered:
.L_overlay_start_1:
0x0: {  	(tag) =	ssettag $0x1  }
0x1: {  	s0 =	srdreg.scid  }
0x2: {  	s1 =	sshll.u32 s0, $0x4  }
0x3: {  	s0 =	stileid.u32;
	s1 =	sand.u32 $0x10, s1  }
0x4: {  	s2 =	sor.u32 s0, s1  }
0x5: {  	s1 =	smin.u32 s2, $0x1C  }
0x6: {  	s1 =	sadd.s32 s2, s1  }
0x7: {  	p0 =	slt.u32 s2, $0x1C;
	s2 =	simm.s32 $0x50;
	s1 =	smul.u32 $0x28, s1  }
0x8: {  	s2 =	simm.s32 @!p0 $0x28  }
0x9: {  	s2 =	sadd.s32 s2, s1  }
0xa: {  	s3 =	smin.u32 s2, $0x960  }
0xb: {  	s7 =	ssub.s32 s3, s1  }
0xc: {  	p0 =	sgt.s32 s7, $0x0  }
0xd: {  	s7 =	simm.s32 @!p0 $0x0  }
0xe: {  	s4 =	rddreg [dreg:$0x0];
	s31 =	smul.u32 $0xCCCD, s7  }
0xf: {  	s5 =	rddreg [dreg:$0x1]  }
0x10: {  	s6 =	simm.s32 $0x1;
	s10 =	simm.s32 $0x3;
	s8 =	sshrl.u32 s31, $0x15  }
0x11: {  	s13 =	simm.s32 $0x0;
	s12 =	simm.s32 $0x0;
	s9 =	smul.u32 $0x28, s8  }
.Ltmp0:
0x12: {  	s11 =	smov.u32 s1;
	s2 =	rddreg [dreg:$0x2];
	(pc) =	sbr.rel .LBB2_1-.Ltmp0, $4  }
0x13: {  	_ =	strace $0x8000004A;
	p0 =	sne.s32 s7, s9;
	s9 =	simm.s32 $0x1  }
0x14: {  	[sflag:s6] =	ssyncpa.u1 $0x0;
	s7 =	simm.s32 $0x2;
	s9 =	simm.s32 @!p0 $0x0  }
0x15: {  	[sflag:s7] =	ssyncpa.u1 $0x0;
	p0 =	por $0x0, $0x0;
	s8 =	sadd.s32 s8, s9  }
0x16: {  	vm0 =	vmmov $0xff;
	vm1 =	vcmask $0x3F20;
	s9 =	sadd.s32 $0x40000, s4;
	[sflag:s10] =	ssyncpa.u1 $0x0;
	s10 =	sadd.s32 $0x1, s8  }
.LBB2_6:
0x17: {  	[hbm:s17] =	stream.linear.scatter [tilespmem:s14], [sflag:$0x3], $0x400, $0x38;
	[tilespmem:$0x2850] =	vst v63  }
.LBB2_7:
0x18: {  	s13 =	sadd.s32 $0x28, s11  }
0x19: {  	s15 =	smov.u32 s1;
	p2 =	slt.s32 s13, s3  }
0x1a: {  	s15 =	smov.u32 @p2 s13;
	p2 =	sne.s32 s12, s10  }
.Ltmp1:
0x1b: {  	p1 =	slt.u32 s12, $0x2;
	(pc) =	sbr.rel @!p2 .LBB2_8-.Ltmp1, $4  }
0x1c: {  	s14 =	simm.s32 @!p1 $0x3  }
0x1d: {  	s16 =	sadd.s32 $0x1, s12;
	_ =	swait.ge @!p1 [sflag:s14], $0x1400  }
0x1e: {  	p0 =	por !p0, !p0;
	s13 =	smov.u32 s11;
	[sflag:s14] =	ssyncset.done @!p1 $0x0  }
0x1f: {  	s12 =	smov.u32 s16;
	s11 =	smov.u32 s15;
	[sflag:s14] =	ssyncadd.s32 @!p1 $0xFFFFEC00  }
.LBB2_1:
0x20: {  	p1 =	sge.u32 s12, s8  }
0x21: {  	s14 =	sxor.u32 @!p1 $0xFFFFFFFF, s12  }
0x22: {  	s14 =	sand.u32 @!p1 $0x1, s14  }
0x23: {  	s14 =	smul.u32 @!p1 $0xA0, s14  }
0x24: {  	s31 =	sadd.s32 $0xFFFFFFFF, s12;
	s15 =	sshrl.u32 @!p1 s11, $0x3  }
0x25: {  	s16 =	sand.u32 @!p1 $0x7, s11;
	s15 =	sadd.s32 @!p1 s5, s15;
	s14 =	sshrl.u32 @!p1 s14, $0x2  }
0x26: {  	[tilespmem:s14], [sflag:$0x2] =	stream.linear.gather @!p1 [hbm4b:s15+s16], $0x28, $0x38;
	[tilespmem:$0x2850] =	vst v63  }
0x27: {  	p1 =	sge.u32 s31, s8  }
.Ltmp2:
0x28: {  	_ = 	snop;
	(pc) =	sbr.rel @p1 .LBB2_7-.Ltmp2, $1  }
0x29: {  	_ =	sdelay $0x3  }
0x2a: {  	s15 =	sand.u32 $0x1, s12  }
0x2b: {  	s14 =	simm.s32 $0x1;
	s16 =	smul.u32 $0xA0, s15  }
0x2c: {  	s14 =	simm.s32 @!p0 $0x0;
	s15 =	smul.u32 $0x5000, s15  }
0x2d: {  	_ =	swait.ge [sflag:s7], $0x28;
	s14 =	smul.u32 $0x5000, s14  }
0x2e: {  	s18 =	simm.s32 $0x0;
	p1 =	por $0x1, $0x1;
	[sflag:s7] =	ssyncset.done $0x0  }
0x2f: {  	[sflag:s7] =	ssyncadd.s32 $0xFFFFFFD8;
	s15 =	sshrl.u32 s15, $0x2;
	s14 =	sshrl.u32 s14, $0x2  }
0x30: {  	s16 =	sshrl.u32 s16, $0x2;
	s17 =	sor.u32 $0x50, s15;
	s14 =	sor.u32 $0x50, s14  }
.LBB2_3:
0x31: {  	s19 =	sshll.u32 s18, $0x4  }
0x32: {  	s19 =	sand.u32 $0x3FFFFFF0, s19  }
0x33: {  	s19 =	sadd.s32 s19, s16  }
0x34: {  	v0 =	vld.msk [tilespmem:s19+$0x0 ss:$0x1], $0xffff;
	_ =	sdelay $0x4  }
0x35: {  	v1 =	vshll.u32 v0, $0x4  }
0x36: {  	vm2 =	veq.s32 v0, $0x80000000;
	v0 =	vshll.u32 v0, $0x12;
	v1 =	vand.u32 $0x3FF80, v1  }
0x37: {  	v0 =	vand.u32 $0x1C0000, v0;
	v1 =	vsel vm2, $0xFFFFFF80, v1  }
0x38: {  	v0 =	vsel vm2, $0xFFFC0000, v0;
	v2 =	vand.u32 $0xFFFFFC00, v1  }
0x39: {  	v1 =	vand.u32 $0x380, v1;
	v0 =	vadd.s32 v0, v2  }
0x3a: {  	v0 =	vor.u32 v1, v0  }
0x3b: {  	v0 =	vshrl.u32 v0, $0x3;
	_ =	sdelay $0x1  }
0x3c: {  	s31 =	sshll.u32 s18, $0xB  }
0x3d: {  	p2 =	por p1, p1;
	s18 =	sand.u32 $0x3FFFF800, s31  }
.Ltmp3:
0x3e: {  	s18 =	sadd.s32 s18, s17;
	(pc) =	sbr.rel @p2 .LBB2_3-.Ltmp3, $4  }
0x3f: {  	[tilespmem:s18], [sflag:$0x1] =	stream.indirect_vreg.gather [hbm:s4], $0x80, v0, vm0, $0x38;
	[tilespmem:$0x2850] =	vst v63  }
0x40: {  	s18 =	sadd.s32 $0x400, s18  }
0x41: {  	[tilespmem:s18], [sflag:$0x1] =	stream.indirect_vreg.gather [hbm:s4], $0x80, v0, vm1, $0x38;
	[tilespmem:$0x2850] =	vst v63  }
0x42: {  	p1 =	por $0x0, $0x0;
	s18 =	simm.s32 $0x1  }
0x43: {  	v0 =	vld.msk [tilespmem:s16+$0x20 ss:$0x1], $0xff;
	_ =	sdelay $0x4  }
0x44: {  	v1 =	vshll.u32 v0, $0x4  }
0x45: {  	vm2 =	veq.s32 v0, $0x80000000;
	v0 =	vshll.u32 v0, $0x12;
	v1 =	vand.u32 $0x3FF80, v1  }
0x46: {  	v0 =	vand.u32 $0x1C0000, v0;
	v1 =	vsel vm2, $0xFFFFFF80, v1  }
0x47: {  	v0 =	vsel vm2, $0xFFFC0000, v0;
	v2 =	vand.u32 $0xFFFFFC00, v1  }
0x48: {  	v1 =	vand.u32 $0x380, v1;
	v0 =	vadd.s32 v0, v2  }
0x49: {  	v0 =	vor.u32 v1, v0  }
0x4a: {  	v0 =	vshrl.u32 v0, $0x3;
	_ =	sdelay $0x3  }
0x4b: {  	s15 =	sadd.s32 $0x1050, s15  }
0x4c: {  	[tilespmem:s15], [sflag:$0x1] =	stream.indirect_vreg.gather [hbm:s4], $0x80, v0, vm0, $0x38;
	[tilespmem:$0x2850] =	vst v63  }
0x4d: {  	s13 =	sshll.u32 s13, $0x4;
	_ =	swait.ge [sflag:s6], $0x1400  }
0x4e: {  	s16 =	sadd.s32 $0x400, s14;
	s13 =	sadd.s32 s13, s9;
	[sflag:s6] =	ssyncset.done $0x0  }
0x4f: {  	s17 =	sadd.s32 $0x0, s13;
	s15 =	simm.s32 $0x80;
	[sflag:s6] =	ssyncadd.s32 $0xFFFFEC00  }
.LBB2_5:
0x50: {  	[hbm:s17] =	stream.linear.scatter [tilespmem:s14], [sflag:$0x3], $0x400, $0x38;
	[tilespmem:$0x2850] =	vst v63  }
0x51: {  	s17 =	smov.u32 s15;
	s14 =	smov.u32 s16;
	p1 =	sne.s32 s15, $0x200  }
.Ltmp4:
0x52: {  	s15 =	sadd.s32 $0x80, s15;
	(pc) =	sbr.rel @p1 .LBB2_5-.Ltmp4, $2  }
0x53: {  	_ =	sdelay $0x2  }
0x54: {  	s16 =	sadd.s32 $0x400, s16;
	s17 =	sadd.s32 s17, s13  }
.Ltmp5:
0x55: {  	_ = 	snop;
	(pc) =	sbr.rel .LBB2_6-.Ltmp5, $1  }
0x56: {  	_ =	sdelay $0x3  }
.LBB2_8:
0x57: {  	_ =	sfence.sel $0x180000  }
0x58: {  	s1 =	simm.s32 $0x2;
	[bflag:$0x0] =	sbarrier.arrive $0xFFFF  }
0x59: {  	s30 =	simm.s32 $0x3;
	[sflag:s1] =	ssyncpa.u1 $0x1  }
0x5a: {  	s31 =	simm.s32 $0x1;
	[sflag:s30] =	ssyncpa.u1 $0x1  }
0x5b: {  	[sflag:s31] =	ssyncpa.u1 $0x1  }
0x5c: {  	p0 =	sne.s32 s0, $0x0;
	_ =	strace $0x9000004A  }
0x5d: {  	s0 =	sadd.s32 @!p0 $0x100000, s2;
	[bflag:$0x2] =	sbarrier.arrive $0xFFFF  }
0x5e: {  	[sflag:s0] =	ssyncadd.tile.s32 @!p0 $0x1;
	_ =	shalt  }
.Lfunc_end2:
_tile_overlayer_lowered:
.L_overlay_start_2:
0x5f: {  	(tag) =	ssettag $0x2  }
0x60: {  	s0 =	rddreg [dreg:$0x0];
	s2 =	stileid.u32  }
0x61: {  	s1 =	rddreg [dreg:$0x1];
	p0 =	sne.s32 s2, $0x0  }
0x62: {  	s3 =	rddreg [dreg:$0x2];
	[bflag:$0x3] =	sbarrier.arrive $0xFFFF;
	s2 =	simm.s32 @!p0 $0x1C01  }
0x63: {  	[timem:s3], [sflag:s2] =	dma.local @!p0 [hbm:s0], s1  }
0x64: {  	s0 =	simm.s32 @!p0 $0x1  }
0x65: {  	_ =	swait.ge @!p0 [sflag:s0], s1  }
0x66: {  	s1 =	ssub.s32 @!p0 $0x0, s1;
	[sflag:s0] =	ssyncset.done @!p0 $0x0  }
0x67: {  	[sflag:s0] =	ssyncadd.s32 @!p0 s1  }
0x68: {  	[bflag:$0x3] =	sbarrier.arrive $0xFFFF  }
0x69: {  	_ =	shalt  }

// kernel: gather_offload_async_start
scs
__scs_entry_jumppad:
0x0: {  	(pc) =	sbr.rel $0x88, $3  }
0x1: {  	(tag) =	ssettag $0x0;
	lr =	simm.s32 $0x1  }
0x2: {  	[smem:$0x3FA0] =	sst lr;
	_ =	strace $0xD0000000  }
0x3: {  	_ = 	snop  }
0x4: {  	_ = 	snop  }
0x5: {  	_ = 	snop  }
0x6: {  	_ = 	snop  }
0x7: {  	_ = 	snop  }
__scs_overlays_trampoline_lowered:
0x8: {  	[smem:$0x3FAF] =	sst s0  }
0x9: {  	[smem:$0x3FB0] =	sst s1  }
0xa: {  	[smem:$0x3FB1] =	sst s2  }
0xb: {  	[smem:$0x3FB2] =	sst s3  }
0xc: {  	[smem:$0x3FB3] =	sst s4  }
0xd: {  	[smem:$0x3FB4] =	sst s5  }
0xe: {  	[smem:$0x3FB5] =	sst s6  }
0xf: {  	[smem:$0x3FB6] =	sst s7  }
0x10: {  	[smem:$0x3FB7] =	sst s8  }
0x11: {  	[smem:$0x3FB8] =	sst s9;
	s0 =	simm.s32 @!p0 $0x0  }
0x12: {  	s1 =	sld [smem:$0x3F9E];
	s0 =	simm.s32 @p0 $0x1  }
0x13: {  	[smem:$0x3FB9] =	sst s0;
	s0 =	simm.s32 @!p1 $0x0  }
0x14: {  	s2 =	sld [smem:$0x3F9D];
	s0 =	simm.s32 @p1 $0x1  }
0x15: {  	[smem:$0x3FBA] =	sst s0;
	s0 =	simm.s32 @!p2 $0x0  }
0x16: {  	s3 =	sld [smem:$0x3FDB];
	s0 =	simm.s32 @p2 $0x1  }
0x17: {  	s4 =	simm.s32 $0x1BF5;
	[smem:$0x3FBC] =	sst s0  }
0x18: {  	s0 =	sld [smem:$0x3F9F];
	_ =	swait.ge [sflag:s4], $0x0  }
0x19: {  	s7 =	sld [smem:$0x3FA0]  }
0x1a: {  	s8 =	sadd.s32 $0xFFFFE003, lr  }
0x1b: {  	s9 =	sadd.s32 $0xFFFFFEF7, lr;
	s5 =	simm.s32 $0xFFFFFFFF;
	p2 =	slt.u32 s8, $0xFFFFF086  }
0x1c: {  	p1 =	slt.u32 s9, $0xF7A;
	s5 =	simm.s32 @!p2 $0x0  }
0x1d: {  	s5 =	simm.s32 @p1 $0x1;
	p0 =	seq.s32 s7, s2  }
0x1e: {  	s7 =	smul.u32 @!p0 $0xF7A, s2;
	p2 =	seq.s32 @!p0 s5, $0x0  }
0x1f: {  	s9 =	smul.u32 $0xF7A, s1;
	s8 =	simm.s32 @!p0 $0x1BF5;
	p2 =	por !p2, p0  }
0x20: {  	[sflag:s8] =	ssyncset.s32 @!p0 $0xFFFFF086;
	s6 =	sadd.s32 @!p0 s3, s7;
	s7 =	simm.s32 @!p0 $0x108  }
0x21: {  	s3 =	sadd.s32 s3, s9;
	s6 =	sadd.s32 @!p0 $0x88, s6;
	s7 =	simm.s32 @p2 $0x1082  }
0x22: {  	[simem:s7], [sflag:s8] =	dma.local @!p0 [hbm:s6], $0xF7A  }
0x23: {  	s9 =	sor.u32 $0xD0000000, s2;
	s6 =	simm.s32 $0x108;
	_ =	swait.ge @!p0 [sflag:s8], $0x0  }
0x24: {  	s3 =	sadd.s32 $0x88, s3;
	s6 =	simm.s32 @!p1 $0x1082;
	[sflag:s4] =	ssyncset.s32 $0xFFFFF086  }
0x25: {  	[simem:s6], [sflag:s4] =	dma.local [hbm:s3], $0xF7A  }
0x26: {  	[smem:$0x3FA0] =	sst s1;
	(tag) =	ssettag s2;
	_ =	strace s9  }
0x27: {  	s1 =	sld [smem:$0x3FB0]  }
0x28: {  	s2 =	sld [smem:$0x3FB1]  }
0x29: {  	s4 =	sld [smem:$0x3FB3]  }
0x2a: {  	p0 =	seq.s32 s5, $0x0;
	s5 =	sld [smem:$0x3FB4]  }
0x2b: {  	s6 =	sld [smem:$0x3FB5]  }
0x2c: {  	s7 =	sld [smem:$0x3FB6]  }
0x2d: {  	s3 =	simm.s32 $0x108;
	s8 =	sld [smem:$0x3FB7]  }
0x2e: {  	s3 =	simm.s32 @!p0 $0x1082;
	s9 =	sld [smem:$0x3FB8]  }
0x2f: {  	lr =	sadd.s32 s0, s3;
	s0 =	sld [smem:$0x3FAF]  }
0x30: {  	s3 =	sld [smem:$0x3FB2]  }
0x31: {  	[smem:$0x3FBB] =	sst s10  }
0x32: {  	s10 =	sld [smem:$0x3FB9];
	_ =	sdelay $0x3  }
0x33: {  	p0 =	seq.s32 s10, $0x1;
	s10 =	sld [smem:$0x3FBB];
	_ =	sdelay $0x3  }
0x34: {  	[smem:$0x3FBB] =	sst s10  }
0x35: {  	s10 =	sld [smem:$0x3FBA];
	_ =	sdelay $0x3  }
0x36: {  	p1 =	seq.s32 s10, $0x1;
	s10 =	sld [smem:$0x3FBB];
	_ =	sdelay $0x3  }
0x37: {  	[smem:$0x3FBB] =	sst s10  }
0x38: {  	s10 =	sld [smem:$0x3FBC]  }
0x39: {  	_ = 	snop;
	(pc) =	sbr.ind lr, $3  }
0x3a: {  	_ = 	snop  }
0x3b: {  	_ = 	snop  }
0x3c: {  	p2 =	seq.s32 s10, $0x1;
	s10 =	sld [smem:$0x3FBB]  }
0x3d: {  	_ =	shalt  }
0x3e: {  	_ =	shalt  }
0x3f: {  	_ =	shalt  }
0x40: {  	_ =	shalt  }
0x41: {  	_ =	shalt  }
0x42: {  	_ =	shalt  }
0x43: {  	_ =	shalt  }
0x44: {  	_ =	shalt  }
0x45: {  	_ =	shalt  }
0x46: {  	_ =	shalt  }
0x47: {  	_ =	shalt  }
0x48: {  	_ =	shalt  }
0x49: {  	_ =	shalt  }
0x4a: {  	_ =	shalt  }
0x4b: {  	_ =	shalt  }
0x4c: {  	_ =	shalt  }
0x4d: {  	_ =	shalt  }
0x4e: {  	_ =	shalt  }
0x4f: {  	_ =	shalt  }
0x50: {  	_ =	shalt  }
0x51: {  	_ =	shalt  }
0x52: {  	_ =	shalt  }
0x53: {  	_ =	shalt  }
0x54: {  	_ =	shalt  }
0x55: {  	_ =	shalt  }
0x56: {  	_ =	shalt  }
0x57: {  	_ =	shalt  }
0x58: {  	_ =	shalt  }
0x59: {  	_ =	shalt  }
0x5a: {  	_ =	shalt  }
0x5b: {  	_ =	shalt  }
0x5c: {  	_ =	shalt  }
0x5d: {  	_ =	shalt  }
0x5e: {  	_ =	shalt  }
0x5f: {  	_ =	shalt  }
0x60: {  	_ =	shalt  }
0x61: {  	_ =	shalt  }
0x62: {  	_ =	shalt  }
0x63: {  	_ =	shalt  }
0x64: {  	_ =	shalt  }
0x65: {  	_ =	shalt  }
0x66: {  	_ =	shalt  }
0x67: {  	_ =	shalt  }
0x68: {  	_ =	shalt  }
0x69: {  	_ =	shalt  }
0x6a: {  	_ =	shalt  }
0x6b: {  	_ =	shalt  }
0x6c: {  	_ =	shalt  }
0x6d: {  	_ =	shalt  }
0x6e: {  	_ =	shalt  }
0x6f: {  	_ =	shalt  }
0x70: {  	_ =	shalt  }
0x71: {  	_ =	shalt  }
0x72: {  	_ =	shalt  }
0x73: {  	_ =	shalt  }
0x74: {  	_ =	shalt  }
0x75: {  	_ =	shalt  }
0x76: {  	_ =	shalt  }
0x77: {  	_ =	shalt  }
0x78: {  	_ =	shalt  }
0x79: {  	_ =	shalt  }
0x7a: {  	_ =	shalt  }
0x7b: {  	_ =	shalt  }
0x7c: {  	_ =	shalt  }
0x7d: {  	_ =	shalt  }
0x7e: {  	_ =	shalt  }
0x7f: {  	_ =	shalt  }
0x80: {  	_ =	shalt  }
0x81: {  	_ =	shalt  }
0x82: {  	_ =	shalt  }
0x83: {  	_ =	shalt  }
0x84: {  	_ =	shalt  }
0x85: {  	_ =	shalt  }
0x86: {  	_ =	shalt  }
0x87: {  	_ =	shalt  }
.Lfunc_end0:
.L_simem_size_0:
called_computation_lowered:
.L_overlay_start_0:
0x88: {  	s2 =	sld [smem:$0x3FD9]  }
0x89: {  	s3 =	sld [smem:$0x3FFE];
	_ =	sdelay $0x1  }
0x8a: {  	s1 =	srdreg.scid  }
0x8b: {  	s0 =	sand.u32 $0x1, s1  }
0x8c: {  	s14 =	sshll.u32 s0, $0xA;
	s2 =	sadd.s32 s3, s2  }
0x8d: {  	s2 =	sadd.s32 s2, s14  }
0x8e: {  	[smem:$0x3FC7] =	sst s2  }
0x8f: {  	_ = 	snop  }
0x90: {  	s2 =	sld [smem:$0x3FD0];
	_ =	sdelay $0x2  }
0x91: {  	s15 =	simm.s32 $0xA;
	s4 =	simm.s32 $0x10  }
0x92: {  	[smem:s4], [sflag:s15] =	dma.local [hbm:s2], $0x1  }
0x93: {  	_ =	swait.eq [sflag:s15], $0x1  }
0x94: {  	[sflag:s15] =	ssyncset.done $0x0  }
0x95: {  	[sflag:s15] =	ssyncadd.s32 $0xFFFFFFFF  }
0x96: {  	s16 =	sld [smem:$0x10];
	(tm) =	ssettm $0x1  }
0x97: {  	s17 =	sld [smem:$0x3FFB];
	_ =	sdelay $0x3  }
0x98: {  	_ =	strace s17  }
0x99: {  	s3 =	sld [smem:$0x3FFC];
	_ =	sdelay $0x3  }
0x9a: {  	_ =	strace s3  }
0x9b: {  	s3 =	sld [smem:$0x3FFD];
	_ =	sdelay $0x3  }
0x9c: {  	_ =	strace s3  }
0x9d: {  	_ =	strace $0x8FFFFFFF  }
0x9e: {  	s18 =	sld [smem:$0x3FDB];
	_ =	sdelay $0x1  }
0x9f: {  	s19 =	simm.s32 $_scs_section_size  }
0xa0: {  	s5 =	simm.s32 $_size__tile_overlayer_lowered;
	s6 =	simm.s32 $_tile_overlayer_lowered  }
0xa1: {  	s22 =	simm.s32 $0x1BFF;
	s21 =	sshll.u32 s6, $0x1;
	s3 =	sadd.s32 s19, s18  }
0xa2: {  	s7 =	simm.s32 $0x0;
	s20 =	sshll.u32 s5, $0x1;
	s5 =	sadd.s32 s21, s3  }
0xa3: {  	[timem:s7], [sflag:s22] =	dma.local [hbm:s5], s20  }
0xa4: {  	_ =	swait.ge [sflag:s22], s20  }
0xa5: {  	s4 =	ssub.s32 $0x0, s20;
	[sflag:s22] =	ssyncset.done $0x0  }
0xa6: {  	[sflag:s22] =	ssyncadd.s32 s4;
	_ =	sdelay $0x1  }
0xa7: {  	s23 =	simm.s32 $0x1B8B  }
0xa8: {  	_ =	swait.ge [sflag:s23], $0x1  }
0xa9: {  	[sflag:s23] =	ssyncset.done $0x0  }
0xaa: {  	s25 =	simm.s32 $0x1B8E;
	s24 =	sld [smem:$0x3FFE];
	[sflag:s23] =	ssyncadd.s32 $0xFFFFFFFF  }
0xab: {  	s26 =	simm.s32 $execute0_lowered;
	[smem:$0x3FD2] =	sst s25  }
0xac: {  	s5 =	sshll.u32 s26, $0x1;
	_ =	strace $0x80000046;
	[dreg:$0x1] =	wrdreg $0xFFFFFFFF  }
0xad: {  	s28 =	simm.s32 $_size_execute0_lowered;
	s3 =	sadd.s32 s3, s5;
	[dreg:$0x0] =	wrdreg $0x0  }
0xae: {  	s5 =	sshll.u32 s28, $0x1;
	[dreg:$0x2] =	wrdreg s3  }
0xaf: {  	[dreg:$0x3] =	wrdreg s5  }
0xb0: {  	[dreg:$0x4] =	wrdreg $0xC0  }
0xb1: {  	_ =	task [dreg:s7], $0x5FFFF  }
0xb2: {  	[dreg:$0x1] =	wrdreg $0xFFFFFFFF  }
0xb3: {  	[dreg:$0x0] =	wrdreg $0x60  }
0xb4: {  	[dreg:$0x2] =	wrdreg s24  }
0xb5: {  	[dreg:$0x3] =	wrdreg s16  }
0xb6: {  	[dreg:$0x4] =	wrdreg $0x9  }
0xb7: {  	_ =	task.clear_ibuf [dreg:s7], $0x5FFFF;
	_ =	strace $0x90000046  }
0xb8: {  	s29 =	simm.s32 $0x9;
	_ =	strace $0x80000048  }
0xb9: {  	_ =	swait.ge [sflag:s29], $0x1  }
0xba: {  	[sflag:s29] =	ssyncadd.s32 $0xFFFFFFFF  }
0xbb: {  	_ =	strace $0x90000048  }
0xbc: {  	_ =	sfence  }
0xbd: {  	s30 =	sld [smem:$0x0];
	_ =	sdelay $0x2  }
0xbe: {  	s31 =	sshll.u32 s1, $0xD;
	s1 =	sshrl.u32 s1, $0x2  }
0xbf: {  	s3 =	sand.u32 $0x4000, s31;
	s1 =	sadd.s32 s1, s30  }
0xc0: {  	s0 =	sor.u32 s3, s0;
	s1 =	sshll.u32 s1, $0x11  }
0xc1: {  	s0 =	sor.u32 s1, s0  }
0xc2: {  	s0 =	sadd.s32 $0x8F2B, s0  }
0xc3: {  	[sflag:s0] =	ssyncadd.remote.s32 $0x1  }
0xc4: {  	_ =	sfence.sel $0xFFFF  }
0xc5: {  	[dreg:$0x0] =	wrdreg $0xFFFFFFFF;
	(pc) =	sbr.abs _section_cstart, $3  }
0xc6: {  	[dreg:$0x1] =	wrdreg $0xFFFFFFFF  }
0xc7: {  	_ =	task.clear_ibuf [dreg:s7], $0x2FFFF;
	_ =	strace $0x9FFFFFFF  }
0xc8: {  	(tm) =	ssettm $0x7FFFFFFF  }
0xc9: {  	_ =	shalt  }
tec
execute0_lowered:
.L_overlay_start_1:
0x0: {  	(tag) =	ssettag $0x1  }
0x1: {  	s2 =	rddreg [dreg:$0x0]  }
0x2: {  	s3 =	rddreg [dreg:$0x1]  }
0x3: {  	s0 =	rddreg [dreg:$0x2];
	s1 =	srdreg.scid;
	_ =	strace $0x80000047  }
0x4: {  	s4 =	simm.s32 $0x1;
	s9 =	simm.s32 $0x3;
	s5 =	sshll.u32 s1, $0x4  }
.Ltmp0:
0x5: {  	s1 =	stileid.u32;
	s5 =	sand.u32 $0x10, s5;
	(pc) =	sbr.rel .LBB2_1-.Ltmp0, $4  }
0x6: {  	s11 =	simm.s32 $0x0;
	p0 =	por $0x0, $0x0;
	s6 =	sor.u32 s1, s5  }
0x7: {  	[sflag:s4] =	ssyncpa.u1 $0x0;
	s5 =	simm.s32 $0x2;
	s6 =	sshll.u32 s6, $0x9  }
0x8: {  	s7 =	sadd.s32 $0x271000, s2;
	[sflag:s5] =	ssyncpa.u1 $0x0;
	s8 =	sadd.s32 $0x200, s6  }
0x9: {  	vm0 =	vmmov $0xff;
	vm1 =	vcmask $0x3F20;
	[sflag:s9] =	ssyncpa.u1 $0x0;
	s10 =	smov.u32 s6;
	s9 =	simm.s32 $0x0  }
.LBB2_7:
0xa: {  	p1 =	slt.u32 s9, $0x2;
	s11 =	sadd.s32 $0x100, s10  }
0xb: {  	s13 =	smov.u32 s6;
	s9 =	sadd.s32 $0x1, s9;
	p2 =	slt.s32 s11, s8  }
0xc: {  	s13 =	smov.u32 @p2 s11;
	p2 =	sne.s32 s9, $0x4  }
.Ltmp1:
0xd: {  	_ = 	snop;
	(pc) =	sbr.rel @!p2 .LBB2_8-.Ltmp1, $4  }
0xe: {  	s12 =	simm.s32 @!p1 $0x3  }
0xf: {  	_ =	swait.ge @!p1 [sflag:s12], $0x8000  }
0x10: {  	p0 =	por !p0, !p0;
	[sflag:s12] =	ssyncset.done @!p1 $0x0  }
0x11: {  	s11 =	smov.u32 s10;
	s10 =	smov.u32 s13;
	[sflag:s12] =	ssyncadd.s32 @!p1 $0xFFFF8000  }
.LBB2_1:
0x12: {  	p1 =	sgt.u32 s9, $0x1  }
0x13: {  	s12 =	sshll.u32 @!p1 s9, $0x8;
	s13 =	sshrl.u32 @!p1 s10, $0x3  }
0x14: {  	s14 =	sand.u32 @!p1 $0x7, s10;
	s12 =	sxor.u32 @!p1 $0x100, s12;
	s13 =	sadd.s32 @!p1 s3, s13  }
0x15: {  	[tilespmem:s12], [sflag:$0x2] =	stream.linear.gather @!p1 [hbm4b:s13+s14], $0x100, $0x38;
	[tilespmem:$0x10200] =	vst v63  }
0x16: {  	p1 =	seq.s32 s9, $0x0  }
0x17: {  	p2 =	seq.s32 @!p1 s9, $0x3  }
0x18: {  	p1 =	por p1, p2  }
.Ltmp2:
0x19: {  	_ = 	snop;
	(pc) =	sbr.rel @p1 .LBB2_7-.Ltmp2, $1  }
0x1a: {  	_ =	sdelay $0x3  }
0x1b: {  	s12 =	simm.s32 $0x1  }
0x1c: {  	_ =	swait.ge [sflag:s5], $0x100;
	s12 =	simm.s32 @!p0 $0x0  }
0x1d: {  	[sflag:s5] =	ssyncset.done $0x0;
	s14 =	sshll.u32 s12, $0x8  }
0x1e: {  	[sflag:s5] =	ssyncadd.s32 $0xFFFFFF00;
	s13 =	sadd.s32 $0x0, s14  }
0x1f: {  	v0 =	vld.msk [tilespmem:s13+$0x0 ss:$0x1], $0xffff;
	_ =	sdelay $0x4  }
0x20: {  	v1 =	vand.u32 $0x7, v0;
	v2 =	vshll.u32 v0, $0x4  }
0x21: {  	vm2 =	veq.s32 v0, $0x80000000;
	v0 =	vmul.u32 $0x271000, v1;
	v1 =	vand.u32 $0x3FFF80, v2  }
0x22: {  	v1 =	vsel vm2, $0xFFFFFF80, v1  }
0x23: {  	v0 =	vsel vm2, $0xFFD8F000, v0;
	v2 =	vand.u32 $0xFFFFFC00, v1  }
0x24: {  	v1 =	vand.u32 $0x380, v1;
	v0 =	vadd.s32 v0, v2  }
0x25: {  	v0 =	vor.u32 v1, v0  }
0x26: {  	v0 =	vshrl.u32 v0, $0x3;
	_ =	sdelay $0x2  }
0x27: {  	s12 =	sshll.u32 s12, $0xF  }
0x28: {  	s12 =	sor.u32 $0x200, s12  }
0x29: {  	[tilespmem:s12], [sflag:$0x1] =	stream.indirect_vreg.gather [hbm:s2], $0x80, v0, vm0, $0x38;
	[tilespmem:$0x10200] =	vst v63  }
0x2a: {  	s15 =	sadd.s32 $0x10, s14;
	s13 =	sadd.s32 $0x400, s12  }
0x2b: {  	[tilespmem:s13], [sflag:$0x1] =	stream.indirect_vreg.gather [hbm:s2], $0x80, v0, vm1, $0x38;
	[tilespmem:$0x10200] =	vst v63  }
0x2c: {  	s16 =	simm.s32 $0x80;
	v0 =	vld.msk [tilespmem:s15+$0x0 ss:$0x1], $0xffff;
	s15 =	smov.u32 s12  }
.LBB2_3:
0x2d: {  	p1 =	sne.s32 s16, $0x3C0;
	_ =	sdelay $0x4  }
0x2e: {  	v1 =	vand.u32 $0x7, v0;
	v2 =	vshll.u32 v0, $0x4  }
0x2f: {  	vm2 =	veq.s32 v0, $0x80000000;
	v0 =	vmul.u32 $0x271000, v1;
	v1 =	vand.u32 $0x3FFF80, v2  }
0x30: {  	v1 =	vsel vm2, $0xFFFFFF80, v1  }
0x31: {  	v0 =	vsel vm2, $0xFFD8F000, v0;
	v2 =	vand.u32 $0xFFFFFC00, v1  }
0x32: {  	v1 =	vand.u32 $0x380, v1;
	v0 =	vadd.s32 v0, v2  }
0x33: {  	v0 =	vor.u32 v1, v0  }
0x34: {  	v0 =	vshrl.u32 v0, $0x3;
	_ =	sdelay $0x3  }
.Ltmp3:
0x35: {  	s17 =	sshra.s32 s16, $0x2;
	s15 =	sadd.s32 $0x800, s15;
	(pc) =	sbr.rel @p1 .LBB2_3-.Ltmp3, $4  }
0x36: {  	[tilespmem:s15], [sflag:$0x1] =	stream.indirect_vreg.gather [hbm:s2], $0x80, v0, vm0, $0x38;
	[tilespmem:$0x10200] =	vst v63  }
0x37: {  	s17 =	sadd.s32 s17, s14;
	s18 =	sadd.s32 $0x400, s15  }
0x38: {  	[tilespmem:s18], [sflag:$0x1] =	stream.indirect_vreg.gather [hbm:s2], $0x80, v0, vm1, $0x38;
	[tilespmem:$0x10200] =	vst v63  }
0x39: {  	s16 =	sadd.s32 $0x40, s16;
	v0 =	vld.msk [tilespmem:s17+$0x0 ss:$0x1], $0xffff  }
0x3a: {  	_ =	sdelay $0x3  }
0x3b: {  	v1 =	vand.u32 $0x7, v0;
	v2 =	vshll.u32 v0, $0x4  }
0x3c: {  	vm2 =	veq.s32 v0, $0x80000000;
	v61 =	vmul.u32 $0x271000, v1;
	v62 =	vand.u32 $0x3FFF80, v2  }
0x3d: {  	v1 =	vsel vm2, $0xFFFFFF80, v62  }
0x3e: {  	v0 =	vsel vm2, $0xFFD8F000, v61;
	v63 =	vand.u32 $0xFFFFFC00, v1  }
0x3f: {  	v1 =	vand.u32 $0x380, v1;
	v0 =	vadd.s32 v0, v63  }
0x40: {  	v0 =	vor.u32 v1, v0  }
0x41: {  	v0 =	vshrl.u32 v0, $0x3;
	_ =	sdelay $0x3  }
0x42: {  	s14 =	sadd.s32 $0x800, s15  }
0x43: {  	[tilespmem:s14], [sflag:$0x1] =	stream.indirect_vreg.gather [hbm:s2], $0x80, v0, vm0, $0x38;
	[tilespmem:$0x10200] =	vst v63  }
0x44: {  	s14 =	sadd.s32 $0x400, s14  }
0x45: {  	[tilespmem:s14], [sflag:$0x1] =	stream.indirect_vreg.gather [hbm:s2], $0x80, v0, vm1, $0x38;
	[tilespmem:$0x10200] =	vst v63  }
0x46: {  	s11 =	sshll.u32 s11, $0x4;
	_ =	swait.ge [sflag:s4], $0x8000  }
0x47: {  	s11 =	sadd.s32 s11, s7;
	[sflag:s4] =	ssyncset.done $0x0  }
0x48: {  	s15 =	sadd.s32 $0x0, s11;
	s14 =	simm.s32 $0x80;
	[sflag:s4] =	ssyncadd.s32 $0xFFFF8000  }
.LBB2_5:
0x49: {  	[hbm:s15] =	stream.linear.scatter [tilespmem:s12], [sflag:$0x3], $0x400, $0x38;
	[tilespmem:$0x10200] =	vst v63  }
0x4a: {  	s15 =	smov.u32 s14;
	s12 =	smov.u32 s13;
	p1 =	sne.s32 s14, $0xF80  }
.Ltmp4:
0x4b: {  	s14 =	sadd.s32 $0x80, s14;
	(pc) =	sbr.rel @p1 .LBB2_5-.Ltmp4, $2  }
0x4c: {  	_ =	sdelay $0x2  }
0x4d: {  	s13 =	sadd.s32 $0x400, s13;
	s15 =	sadd.s32 s15, s11  }
.Ltmp5:
0x4e: {  	(pc) =	sbr.rel .LBB2_7-.Ltmp5, $2  }
0x4f: {  	_ =	sdelay $0x2  }
0x50: {  	[hbm:s15] =	stream.linear.scatter [tilespmem:s12], [sflag:$0x3], $0x400, $0x38;
	[tilespmem:$0x10200] =	vst v63  }
.LBB2_8:
0x51: {  	_ =	sfence.sel $0x180000  }
0x52: {  	s2 =	simm.s32 $0x2;
	[bflag:$0x0] =	sbarrier.arrive $0xFFFF  }
0x53: {  	s30 =	simm.s32 $0x3;
	[sflag:s2] =	ssyncpa.u1 $0x1  }
0x54: {  	s31 =	simm.s32 $0x1;
	[sflag:s30] =	ssyncpa.u1 $0x1  }
0x55: {  	[sflag:s31] =	ssyncpa.u1 $0x1  }
0x56: {  	p0 =	sne.s32 s1, $0x0;
	_ =	strace $0x90000047  }
0x57: {  	s0 =	sadd.s32 @!p0 $0x100000, s0;
	[bflag:$0x2] =	sbarrier.arrive $0xFFFF  }
0x58: {  	[sflag:s0] =	ssyncadd.tile.s32 @!p0 $0x1;
	_ =	shalt  }
.Lfunc_end2:
_tile_overlayer_lowered:
.L_overlay_start_2:
0x59: {  	(tag) =	ssettag $0x2  }
0x5a: {  	s0 =	rddreg [dreg:$0x0];
	s2 =	stileid.u32  }
0x5b: {  	s1 =	rddreg [dreg:$0x1];
	p0 =	sne.s32 s2, $0x0  }
0x5c: {  	s3 =	rddreg [dreg:$0x2];
	[bflag:$0x3] =	sbarrier.arrive $0xFFFF;
	s2 =	simm.s32 @!p0 $0x1C01  }
0x5d: {  	[timem:s3], [sflag:s2] =	dma.local @!p0 [hbm:s0], s1  }
0x5e: {  	s0 =	simm.s32 @!p0 $0x1  }
0x5f: {  	_ =	swait.ge @!p0 [sflag:s0], s1  }
0x60: {  	s1 =	ssub.s32 @!p0 $0x0, s1;
	[sflag:s0] =	ssyncset.done @!p0 $0x0  }
0x61: {  	[sflag:s0] =	ssyncadd.s32 @!p0 s1  }
0x62: {  	[bflag:$0x3] =	sbarrier.arrive $0xFFFF  }
0x63: {  	_ =	shalt  }

</sc_bundles>
